<compile_context>
chip_gen: v7x
topology: tpu7x:2x2x1
jax: 0.10.2.dev20260603
libtpu: 0.0.44.dev20260713+nightly
codegen_flags: <defaults>
</compile_context>

<pallas_src>
import functools

import jax
import jax.numpy as jnp
from jax import lax
from jax.experimental import pallas as pl
from jax.experimental.pallas import tpu as pltpu
from jax.experimental.pallas import tpu_sc as plsc

N = 10000
E = 320000
F_IN = 128
H = 128
C = 16
G = 64
EPS = 1e-5

NC = 2
NS = 16
NW = NC * NS
K = 80
EPT = E // NW
CPT = EPT // K

_MESH = plsc.VectorSubcoreMesh(core_axis_name="c", subcore_axis_name="s",
                               num_cores=NC, num_subcores=NS)
_SC_PARAMS = pltpu.CompilerParams(use_tc_tiling_on_sc=False)


@functools.partial(
    pl.kernel,
    out_type=jax.ShapeDtypeStruct((2 * N,), jnp.float32),
    mesh=_MESH,
    compiler_params=_SC_PARAMS,
    scratch_types=[
        pltpu.VMEM_SHARED((N,), jnp.float32),
        pltpu.VMEM((CPT, K), jnp.int32),
        pltpu.VMEM((K,), jnp.float32),
    ],
)
def _deg_kernel(dst2d, zeros_n, out, deg_sh, didx_v, ones_v):
    c = lax.axis_index("c")
    s = lax.axis_index("s")
    w = c * NS + s

    @pl.when(s < 10)
    def _():
        pltpu.sync_copy(zeros_n.at[pl.ds(s * 1000, 1000)],
                        deg_sh.at[pl.ds(s * 1000, 1000)])

    for j in range(K // 16):
        ones_v[pl.ds(j * 16, 16)] = jnp.full((16,), 1.0, jnp.float32)

    pltpu.sync_copy(dst2d.at[pl.ds(w * CPT, CPT)], didx_v)
    plsc.subcore_barrier()

    def body(i, _):
        pltpu.sync_copy(ones_v, deg_sh.at[didx_v.at[i]], add=True)
        return ()

    lax.fori_loop(0, CPT, body, ())
    plsc.subcore_barrier()

    @pl.when(s < 10)
    def _():
        pltpu.sync_copy(deg_sh.at[pl.ds(s * 1000, 1000)],
                        out.at[pl.ds(c * N + s * 1000, 1000)])


@functools.partial(
    pl.kernel,
    out_type=jax.ShapeDtypeStruct((2 * N, H), jnp.float32),
    mesh=_MESH,
    compiler_params=_SC_PARAMS,
    scratch_types=[
        pltpu.VMEM_SHARED((N, H), jnp.float32),
        pltpu.VMEM((CPT, K), jnp.int32),
        pltpu.VMEM((CPT, K), jnp.int32),
        pltpu.VMEM((K, H), jnp.float32),
        pltpu.SemaphoreType.DMA,
    ],
)
def _scatter_kernel(h2, src2d, dst2d, zeros_nf, out, acc_sh, sidx_v, didx_v,
                    rows_v, gsem):
    c = lax.axis_index("c")
    s = lax.axis_index("s")
    w = c * NS + s

    @pl.when(s < 10)
    def _():
        pltpu.sync_copy(zeros_nf.at[pl.ds(s * 1000, 1000)],
                        acc_sh.at[pl.ds(s * 1000, 1000)])

    pltpu.sync_copy(src2d.at[pl.ds(w * CPT, CPT)], sidx_v)
    pltpu.sync_copy(dst2d.at[pl.ds(w * CPT, CPT)], didx_v)
    plsc.subcore_barrier()

    def body(i, _):
        pltpu.async_copy(h2.at[sidx_v.at[i]], rows_v, gsem).wait()
        pltpu.sync_copy(rows_v, acc_sh.at[didx_v.at[i]], add=True)
        return ()

    lax.fori_loop(0, CPT, body, ())
    plsc.subcore_barrier()

    @pl.when(s < 10)
    def _():
        pltpu.sync_copy(acc_sh.at[pl.ds(s * 1000, 1000)],
                        out.at[pl.ds(c * N + s * 1000, 1000)])


def _bnmm_body(x_ref, dega_ref, degb_ref, g_ref, b_ref, w_ref, h2_ref):
    x = x_ref[...]
    mean = jnp.mean(x, axis=0, keepdims=True)
    xc = x - mean
    var = jnp.mean(xc * xc, axis=0, keepdims=True)
    xh = xc * (g_ref[...] * lax.rsqrt(var + EPS)) + b_ref[...]
    deg = dega_ref[...] + degb_ref[...] + 1.0
    dinv = lax.rsqrt(deg)
    h = jnp.dot(xh, w_ref[...], preferred_element_type=jnp.float32)
    h2_ref[...] = h * dinv


def _final_body(accp_ref, h2_ref, dega_ref, degb_ref, cb_ref, lg_ref, lb_ref,
                batch_ref, lw_ref, lbias_ref, out_ref):
    acc = accp_ref[0:N, :] + accp_ref[N:2 * N, :] + h2_ref[...]
    deg = dega_ref[...] + degb_ref[...] + 1.0
    dinv = lax.rsqrt(deg)
    o = jnp.maximum(acc * dinv + cb_ref[...], 0.0)
    mu = jnp.mean(o, axis=-1, keepdims=True)
    oc = o - mu
    v = jnp.mean(oc * oc, axis=-1, keepdims=True)
    ln = oc * (lg_ref[...] * lax.rsqrt(v + EPS)) + lb_ref[...]
    ids = lax.broadcasted_iota(jnp.int32, (G, N), 0)
    oh = (ids == batch_ref[...]).astype(jnp.float32)
    sums = lax.dot_general(oh, ln, (((1,), (0,)), ((), ())),
                           preferred_element_type=jnp.float32)
    cnts = lax.dot_general(oh, jnp.ones((N, 1), jnp.float32),
                           (((1,), (0,)), ((), ())),
                           preferred_element_type=jnp.float32)
    pooled = sums / jnp.maximum(cnts, 1.0)
    out_ref[...] = jnp.dot(pooled, lw_ref[...],
                           preferred_element_type=jnp.float32) + lbias_ref[...]


def kernel(x, edge_index, batch, bn_gamma, bn_beta, conv1_W, conv1_b,
           ln_gamma, ln_beta, lin_W, lin_b):
    ei = edge_index.astype(jnp.int32)
    src2d = ei[0].reshape(E // K, K)
    dst2d = ei[1].reshape(E // K, K)
    zeros_n = jnp.zeros((N,), jnp.float32)
    zeros_nf = jnp.zeros((N, H), jnp.float32)

    degp = _deg_kernel(dst2d, zeros_n)
    dega = degp[:N].reshape(N, 1)
    degb = degp[N:].reshape(N, 1)

    h2 = pl.pallas_call(
        _bnmm_body,
        out_shape=jax.ShapeDtypeStruct((N, H), jnp.float32),
    )(x, dega, degb, bn_gamma, bn_beta, conv1_W)

    accp = _scatter_kernel(h2, src2d, dst2d, zeros_nf)

    logits = pl.pallas_call(
        _final_body,
        out_shape=jax.ShapeDtypeStruct((G, C), jnp.float32),
    )(accp, h2, dega, degb, conv1_b, ln_gamma, ln_beta,
      batch.astype(jnp.int32).reshape(1, N), lin_W, lin_b)
    return logits

# --- scband reference (transcript-rebuilt; emitter-appended) ---
"""Pipeline reference for scband-gcn-47150150976174 (READ-ONLY COPY).

The authoritative reference and input builder live on the scoring server;
editing this copy changes nothing except your own understanding.
"""

import jax, jax.numpy as jnp
import numpy as np

N = 10000
E = 320000
F_IN = 128
H = 128
C = 16
G = 64

def setup_inputs(seed: int = 0) -> dict:
    key = jax.random.key(seed)
    ks = jax.random.split(key, 8)
    x = jax.random.normal(ks[0], (N, F_IN), dtype=jnp.float32)
    edge_index = jax.random.randint(ks[1], (2, E), 0, N)
    batch = jnp.sort(jax.random.randint(ks[2], (N,), 0, G))
    bn_gamma = jnp.ones((F_IN,), jnp.float32)
    bn_beta = jnp.zeros((F_IN,), jnp.float32)
    conv1_W = jax.random.normal(ks[3], (F_IN, H), dtype=jnp.float32) * (1.0 / np.sqrt(F_IN))
    conv1_b = jnp.zeros((H,), jnp.float32)
    ln_gamma = jnp.ones((H,), jnp.float32)
    ln_beta = jnp.zeros((H,), jnp.float32)
    lin_W = jax.random.normal(ks[4], (H, C), dtype=jnp.float32) * (1.0 / np.sqrt(H))
    lin_b = jnp.zeros((C,), jnp.float32)
    return {"x": x, "edge_index": edge_index, "batch": batch,
            "bn_gamma": bn_gamma, "bn_beta": bn_beta,
            "conv1_W": conv1_W, "conv1_b": conv1_b,
            "ln_gamma": ln_gamma, "ln_beta": ln_beta,
            "lin_W": lin_W, "lin_b": lin_b}

def reference(x, edge_index, batch, bn_gamma, bn_beta, conv1_W, conv1_b, ln_gamma, ln_beta, lin_W, lin_b):
    eps = 1e-5
    # BatchNorm over nodes (training-mode batch statistics)
    mean = jnp.mean(x, axis=0)
    var = jnp.var(x, axis=0)
    x = (x - mean) / jnp.sqrt(var + eps) * bn_gamma + bn_beta
    # GCNConv: add self-loops, symmetric normalization
    src = edge_index[0]
    dst = edge_index[1]
    loop = jnp.arange(N, dtype=src.dtype)
    src = jnp.concatenate([src, loop])
    dst = jnp.concatenate([dst, loop])
    deg = jnp.zeros((N,), jnp.float32).at[dst].add(jnp.ones(src.shape[0], jnp.float32))
    deg_inv_sqrt = jnp.where(deg > 0, 1.0 / jnp.sqrt(deg), 0.0)
    norm = deg_inv_sqrt[src] * deg_inv_sqrt[dst]
    h = x @ conv1_W
    msgs = h[src] * norm[:, None]
    out = jnp.zeros((N, H), jnp.float32).at[dst].add(msgs) + conv1_b
    out = jax.nn.relu(out)
    # LayerNorm per node over feature dim
    mu = jnp.mean(out, axis=-1, keepdims=True)
    v = jnp.var(out, axis=-1, keepdims=True)
    out = (out - mu) / jnp.sqrt(v + eps) * ln_gamma + ln_beta
    # global_mean_pool by graph id
    sums = jax.ops.segment_sum(out, batch, num_segments=G)
    counts = jax.ops.segment_sum(jnp.ones((N,), jnp.float32), batch, num_segments=G)
    pooled = sums / jnp.clip(counts, 1.0)[:, None]
    logits = pooled @ lin_W + lin_b
    return logits

if __name__ == "__main__":
    import jax
    _d = setup_inputs()
    print(jax.jit(kernel)(*tuple(_d.values())))

</pallas_src>

<mosaic_0001>
#map = affine_map<(d0, d1) -> (0, 0)>
module attributes {stable_mosaic.version = 14 : i64} {
  func.func @_scatter_kernel(%arg0: i32, %arg1: i32, %arg2: memref<10000x128xf32, #tpu.memory_space<hbm>>, %arg3: memref<4000x80xi32, #tpu.memory_space<hbm>>, %arg4: memref<4000x80xi32, #tpu.memory_space<hbm>>, %arg5: memref<10000x128xf32, #tpu.memory_space<hbm>>, %arg6: memref<20000x128xf32, #tpu.memory_space<hbm>>, %arg7: memref<10000x128xf32, #tpu.memory_space<vmem_shared>>, %arg8: memref<125x80xi32, #tpu.memory_space<vmem>>, %arg9: memref<125x80xi32, #tpu.memory_space<vmem>>, %arg10: memref<80x128xf32, #tpu.memory_space<vmem>>, %arg11: memref<!tpu.dma_semaphore, #tpu.memory_space<semaphore_mem>>) attributes {dimension_semantics = [#tpu.dimension_semantics<core_parallel>, #tpu.dimension_semantics<subcore_parallel>], iteration_bounds = array<i64: 2, 16>, scalar_prefetch = 0 : i64, scratch_operands = 5 : i64, tpu.core_type = #tpu.core_type<sc_vector_subcore>, window_params = [{transform_indices = #map}, {transform_indices = #map}, {transform_indices = #map}, {transform_indices = #map}, {transform_indices = #map}]} {
    %mul3A = arith.constant 16 : i32
    %mul3A_0 = arith.muli %arg0, %mul3A : i32
    %add3A = arith.addi %mul3A_0, %arg1 : i32
    %lt3A = arith.constant 10 : i32
    %lt3A_1 = arith.cmpi slt, %arg1, %lt3A : i32
    %convert_element_type3A = arith.extui %lt3A_1 : i1 to i32
    %cond3A = arith.constant 0 : i32
    %cond3A_2 = arith.cmpi ne, %convert_element_type3A, %cond3A : i32
    scf.if %cond3A_2 {
      %mul3A_17 = arith.constant 1000 : i32
      %mul3A_18 = arith.muli %arg1, %mul3A_17 : i32
      %mul3A_19 = arith.constant 1000 : i32
      %mul3A_20 = arith.muli %arg1, %mul3A_19 : i32
      "tpu.region"() ({
        %run_scoped3A = tpu.sem_alloc : memref<!tpu.dma_semaphore, #tpu.memory_space<semaphore_mem>>
        %dma_start3A = arith.constant 0 : i32
        %dma_start3A_21 = tpu.memref_slice %arg7[%mul3A_20, %dma_start3A] : memref<10000x128xf32, #tpu.memory_space<vmem_shared>> -> memref<1000x128xf32, #tpu.memory_space<vmem_shared>>
        %dma_start3A_22 = arith.constant 0 : i32
        %dma_start3A_23 = tpu.memref_slice %arg5[%mul3A_18, %dma_start3A_22] : memref<10000x128xf32, #tpu.memory_space<hbm>> -> memref<1000x128xf32, #tpu.memory_space<hbm>>
        tpu.enqueue_dma source(%dma_start3A_23 : memref<1000x128xf32, #tpu.memory_space<hbm>>) target(%dma_start3A_21 : memref<1000x128xf32, #tpu.memory_space<vmem_shared>>) target_semaphore(%run_scoped3A : memref<!tpu.dma_semaphore, #tpu.memory_space<semaphore_mem>>)
        %dma_wait3A = arith.constant 0 : i32
        %dma_wait3A_24 = tpu.memref_slice %arg7[%mul3A_20, %dma_wait3A] : memref<10000x128xf32, #tpu.memory_space<vmem_shared>> -> memref<1000x128xf32, #tpu.memory_space<vmem_shared>>
        %dma_wait3A_25 = arith.constant 0 : i32
        %dma_wait3A_26 = tpu.memref_slice %arg5[%mul3A_18, %dma_wait3A_25] : memref<10000x128xf32, #tpu.memory_space<hbm>> -> memref<1000x128xf32, #tpu.memory_space<hbm>>
        tpu.wait_dma2 semaphore(%run_scoped3A : memref<!tpu.dma_semaphore, #tpu.memory_space<semaphore_mem>>) src(%dma_wait3A_26 : memref<1000x128xf32, #tpu.memory_space<hbm>>) dst(%dma_wait3A_24 : memref<1000x128xf32, #tpu.memory_space<vmem_shared>>)
        tpu.yield
      }) : () -> ()
    } else {
    }
    %mul3A_3 = arith.constant 125 : i32
    %mul3A_4 = arith.muli %add3A, %mul3A_3 : i32
    "tpu.region"() ({
      %run_scoped3A = tpu.sem_alloc : memref<!tpu.dma_semaphore, #tpu.memory_space<semaphore_mem>>
      %dma_start3A = arith.constant 0 : i32
      %dma_start3A_17 = tpu.memref_slice %arg3[%mul3A_4, %dma_start3A] : memref<4000x80xi32, #tpu.memory_space<hbm>> -> memref<125x80xi32, #tpu.memory_space<hbm>>
      %dma_start3A_18 = arith.constant 0 : i32
      %dma_start3A_19 = tpu.memref_slice %arg3[%mul3A_4, %dma_start3A_18] : memref<4000x80xi32, #tpu.memory_space<hbm>> -> memref<125x80xi32, #tpu.memory_space<hbm>>
      tpu.enqueue_dma source(%dma_start3A_19 : memref<125x80xi32, #tpu.memory_space<hbm>>) target(%arg8 : memref<125x80xi32, #tpu.memory_space<vmem>>) target_semaphore(%run_scoped3A : memref<!tpu.dma_semaphore, #tpu.memory_space<semaphore_mem>>)
      %dma_wait3A = arith.constant 0 : i32
      %dma_wait3A_20 = tpu.memref_slice %arg3[%mul3A_4, %dma_wait3A] : memref<4000x80xi32, #tpu.memory_space<hbm>> -> memref<125x80xi32, #tpu.memory_space<hbm>>
      %dma_wait3A_21 = arith.constant 0 : i32
      %dma_wait3A_22 = tpu.memref_slice %arg3[%mul3A_4, %dma_wait3A_21] : memref<4000x80xi32, #tpu.memory_space<hbm>> -> memref<125x80xi32, #tpu.memory_space<hbm>>
      tpu.wait_dma2 semaphore(%run_scoped3A : memref<!tpu.dma_semaphore, #tpu.memory_space<semaphore_mem>>) src(%dma_wait3A_22 : memref<125x80xi32, #tpu.memory_space<hbm>>) dst(%arg8 : memref<125x80xi32, #tpu.memory_space<vmem>>)
      tpu.yield
    }) : () -> ()
    %mul3A_5 = arith.constant 125 : i32
    %mul3A_6 = arith.muli %add3A, %mul3A_5 : i32
    "tpu.region"() ({
      %run_scoped3A = tpu.sem_alloc : memref<!tpu.dma_semaphore, #tpu.memory_space<semaphore_mem>>
      %dma_start3A = arith.constant 0 : i32
      %dma_start3A_17 = tpu.memref_slice %arg4[%mul3A_6, %dma_start3A] : memref<4000x80xi32, #tpu.memory_space<hbm>> -> memref<125x80xi32, #tpu.memory_space<hbm>>
      %dma_start3A_18 = arith.constant 0 : i32
      %dma_start3A_19 = tpu.memref_slice %arg4[%mul3A_6, %dma_start3A_18] : memref<4000x80xi32, #tpu.memory_space<hbm>> -> memref<125x80xi32, #tpu.memory_space<hbm>>
      tpu.enqueue_dma source(%dma_start3A_19 : memref<125x80xi32, #tpu.memory_space<hbm>>) target(%arg9 : memref<125x80xi32, #tpu.memory_space<vmem>>) target_semaphore(%run_scoped3A : memref<!tpu.dma_semaphore, #tpu.memory_space<semaphore_mem>>)
      %dma_wait3A = arith.constant 0 : i32
      %dma_wait3A_20 = tpu.memref_slice %arg4[%mul3A_6, %dma_wait3A] : memref<4000x80xi32, #tpu.memory_space<hbm>> -> memref<125x80xi32, #tpu.memory_space<hbm>>
      %dma_wait3A_21 = arith.constant 0 : i32
      %dma_wait3A_22 = tpu.memref_slice %arg4[%mul3A_6, %dma_wait3A_21] : memref<4000x80xi32, #tpu.memory_space<hbm>> -> memref<125x80xi32, #tpu.memory_space<hbm>>
      tpu.wait_dma2 semaphore(%run_scoped3A : memref<!tpu.dma_semaphore, #tpu.memory_space<semaphore_mem>>) src(%dma_wait3A_22 : memref<125x80xi32, #tpu.memory_space<hbm>>) dst(%arg9 : memref<125x80xi32, #tpu.memory_space<vmem>>)
      tpu.yield
    }) : () -> ()
    %barrier3A = arith.constant 0 : index
    tpu.barrier barrier_id(%barrier3A)
    %scan3A = arith.constant 0 : i32
    %scan3A_7 = arith.constant 125 : i32
    %scan3A_8 = arith.addi %scan3A, %scan3A_7 : i32
    %scan3A_9 = arith.constant 1 : i32
    scf.for %scan3A_17 = %scan3A to %scan3A_8 step %scan3A_9  : i32 {
      %dma_start3A = arith.constant 0 : i32
      %dma_start3A_18 = tpu.memref_slice %arg8[%scan3A_17, %dma_start3A] : memref<125x80xi32, #tpu.memory_space<vmem>> -> memref<1x80xi32, #tpu.memory_space<vmem>>
      %dma_start3A_19 = tpu.memref_squeeze %dma_start3A_18 : memref<1x80xi32, #tpu.memory_space<vmem>> -> memref<80xi32, #tpu.memory_space<vmem>>
      %dma_start3A_20 = arith.constant 0 : i32
      %dma_start3A_21 = arith.constant 0 : i32
      %dma_start3A_22 = tpu.memref_slice %arg2[%dma_start3A_20, %dma_start3A_21] : memref<10000x128xf32, #tpu.memory_space<hbm>> -> memref<10000x128xf32, #tpu.memory_space<hbm>>
      tpu.enqueue_indirect_dma source(%dma_start3A_22 : memref<10000x128xf32, #tpu.memory_space<hbm>>) target(%arg10 : memref<80x128xf32, #tpu.memory_space<vmem>>) offsets(%dma_start3A_19 : memref<80xi32, #tpu.memory_space<vmem>>) semaphore(%arg11 : memref<!tpu.dma_semaphore, #tpu.memory_space<semaphore_mem>>)
      %dma_wait3A = arith.constant 0 : i32
      %dma_wait3A_23 = tpu.memref_slice %arg8[%scan3A_17, %dma_wait3A] : memref<125x80xi32, #tpu.memory_space<vmem>> -> memref<1x80xi32, #tpu.memory_space<vmem>>
      %dma_wait3A_24 = tpu.memref_squeeze %dma_wait3A_23 : memref<1x80xi32, #tpu.memory_space<vmem>> -> memref<80xi32, #tpu.memory_space<vmem>>
      %dma_wait3A_25 = arith.constant 0 : i32
      %dma_wait3A_26 = arith.constant 0 : i32
      %dma_wait3A_27 = tpu.memref_slice %arg2[%dma_wait3A_25, %dma_wait3A_26] : memref<10000x128xf32, #tpu.memory_space<hbm>> -> memref<10000x128xf32, #tpu.memory_space<hbm>>
      tpu.wait_indirect_dma semaphore(%arg11 : memref<!tpu.dma_semaphore, #tpu.memory_space<semaphore_mem>>) src(%dma_wait3A_27 : memref<10000x128xf32, #tpu.memory_space<hbm>>) dst(%arg10 : memref<80x128xf32, #tpu.memory_space<vmem>>)
      "tpu.region"() ({
        %run_scoped3A = tpu.sem_alloc : memref<!tpu.dma_semaphore, #tpu.memory_space<semaphore_mem>>
        %dma_start3A_28 = arith.constant 0 : i32
        %dma_start3A_29 = tpu.memref_slice %arg9[%scan3A_17, %dma_start3A_28] : memref<125x80xi32, #tpu.memory_space<vmem>> -> memref<1x80xi32, #tpu.memory_space<vmem>>
        %dma_start3A_30 = tpu.memref_squeeze %dma_start3A_29 : memref<1x80xi32, #tpu.memory_space<vmem>> -> memref<80xi32, #tpu.memory_space<vmem>>
        %dma_start3A_31 = arith.constant 0 : i32
        %dma_start3A_32 = arith.constant 0 : i32
        %dma_start3A_33 = tpu.memref_slice %arg7[%dma_start3A_31, %dma_start3A_32] : memref<10000x128xf32, #tpu.memory_space<vmem_shared>> -> memref<10000x128xf32, #tpu.memory_space<vmem_shared>>
        tpu.enqueue_indirect_dma source(%arg10 : memref<80x128xf32, #tpu.memory_space<vmem>>) target(%dma_start3A_33 : memref<10000x128xf32, #tpu.memory_space<vmem_shared>>) offsets(%dma_start3A_30 : memref<80xi32, #tpu.memory_space<vmem>>) semaphore(%run_scoped3A : memref<!tpu.dma_semaphore, #tpu.memory_space<semaphore_mem>>) {add = true}
        %dma_wait3A_34 = arith.constant 0 : i32
        %dma_wait3A_35 = tpu.memref_slice %arg9[%scan3A_17, %dma_wait3A_34] : memref<125x80xi32, #tpu.memory_space<vmem>> -> memref<1x80xi32, #tpu.memory_space<vmem>>
        %dma_wait3A_36 = tpu.memref_squeeze %dma_wait3A_35 : memref<1x80xi32, #tpu.memory_space<vmem>> -> memref<80xi32, #tpu.memory_space<vmem>>
        %dma_wait3A_37 = arith.constant 0 : i32
        %dma_wait3A_38 = arith.constant 0 : i32
        %dma_wait3A_39 = tpu.memref_slice %arg7[%dma_wait3A_37, %dma_wait3A_38] : memref<10000x128xf32, #tpu.memory_space<vmem_shared>> -> memref<10000x128xf32, #tpu.memory_space<vmem_shared>>
        tpu.wait_indirect_dma semaphore(%run_scoped3A : memref<!tpu.dma_semaphore, #tpu.memory_space<semaphore_mem>>) src(%arg10 : memref<80x128xf32, #tpu.memory_space<vmem>>) dst(%dma_wait3A_39 : memref<10000x128xf32, #tpu.memory_space<vmem_shared>>)
        tpu.yield
      }) : () -> ()
    }
    %scan3A_10 = arith.constant 125 : i32
    %barrier3A_11 = arith.constant 0 : index
    tpu.barrier barrier_id(%barrier3A_11)
    %lt3A_12 = arith.constant 10 : i32
    %lt3A_13 = arith.cmpi slt, %arg1, %lt3A_12 : i32
    %convert_element_type3A_14 = arith.extui %lt3A_13 : i1 to i32
    %cond3A_15 = arith.constant 0 : i32
    %cond3A_16 = arith.cmpi ne, %convert_element_type3A_14, %cond3A_15 : i32
    scf.if %cond3A_16 {
      %mul3A_17 = arith.constant 1000 : i32
      %mul3A_18 = arith.muli %arg1, %mul3A_17 : i32
      %mul3A_19 = arith.constant 10000 : i32
      %mul3A_20 = arith.muli %arg0, %mul3A_19 : i32
      %mul3A_21 = arith.constant 1000 : i32
      %mul3A_22 = arith.muli %arg1, %mul3A_21 : i32
      %add3A_23 = arith.addi %mul3A_20, %mul3A_22 : i32
      "tpu.region"() ({
        %run_scoped3A = tpu.sem_alloc : memref<!tpu.dma_semaphore, #tpu.memory_space<semaphore_mem>>
        %dma_start3A = arith.constant 0 : i32
        %dma_start3A_24 = tpu.memref_slice %arg6[%add3A_23, %dma_start3A] : memref<20000x128xf32, #tpu.memory_space<hbm>> -> memref<1000x128xf32, #tpu.memory_space<hbm>>
        %dma_start3A_25 = arith.constant 0 : i32
        %dma_start3A_26 = tpu.memref_slice %arg7[%mul3A_18, %dma_start3A_25] : memref<10000x128xf32, #tpu.memory_space<vmem_shared>> -> memref<1000x128xf32, #tpu.memory_space<vmem_shared>>
        tpu.enqueue_dma source(%dma_start3A_26 : memref<1000x128xf32, #tpu.memory_space<vmem_shared>>) target(%dma_start3A_24 : memref<1000x128xf32, #tpu.memory_space<hbm>>) target_semaphore(%run_scoped3A : memref<!tpu.dma_semaphore, #tpu.memory_space<semaphore_mem>>)
        %dma_wait3A = arith.constant 0 : i32
        %dma_wait3A_27 = tpu.memref_slice %arg6[%add3A_23, %dma_wait3A] : memref<20000x128xf32, #tpu.memory_space<hbm>> -> memref<1000x128xf32, #tpu.memory_space<hbm>>
        %dma_wait3A_28 = arith.constant 0 : i32
        %dma_wait3A_29 = tpu.memref_slice %arg7[%mul3A_18, %dma_wait3A_28] : memref<10000x128xf32, #tpu.memory_space<vmem_shared>> -> memref<1000x128xf32, #tpu.memory_space<vmem_shared>>
        tpu.wait_dma2 semaphore(%run_scoped3A : memref<!tpu.dma_semaphore, #tpu.memory_space<semaphore_mem>>) src(%dma_wait3A_29 : memref<1000x128xf32, #tpu.memory_space<vmem_shared>>) dst(%dma_wait3A_27 : memref<1000x128xf32, #tpu.memory_space<hbm>>)
        tpu.yield
      }) : () -> ()
    } else {
    }
    return
  }
}

#map = affine_map<(d0, d1) -> (0, 0)>
#map1 = affine_map<(d0, d1) -> (0)>
module attributes {stable_mosaic.version = 14 : i64} {
  func.func @_deg_kernel(%arg0: i32, %arg1: i32, %arg2: memref<4000x80xi32, #tpu.memory_space<hbm>>, %arg3: memref<10000xf32, #tpu.memory_space<hbm>>, %arg4: memref<20000xf32, #tpu.memory_space<hbm>>, %arg5: memref<10000xf32, #tpu.memory_space<vmem_shared>>, %arg6: memref<125x80xi32, #tpu.memory_space<vmem>>, %arg7: memref<80xf32, #tpu.memory_space<vmem>>) attributes {dimension_semantics = [#tpu.dimension_semantics<core_parallel>, #tpu.dimension_semantics<subcore_parallel>], iteration_bounds = array<i64: 2, 16>, scalar_prefetch = 0 : i64, scratch_operands = 3 : i64, tpu.core_type = #tpu.core_type<sc_vector_subcore>, window_params = [{transform_indices = #map}, {transform_indices = #map1}, {transform_indices = #map1}]} {
    %mul3A = arith.constant 16 : i32
    %mul3A_0 = arith.muli %arg0, %mul3A : i32
    %add3A = arith.addi %mul3A_0, %arg1 : i32
    %lt3A = arith.constant 10 : i32
    %lt3A_1 = arith.cmpi slt, %arg1, %lt3A : i32
    %convert_element_type3A = arith.extui %lt3A_1 : i1 to i32
    %cond3A = arith.constant 0 : i32
    %cond3A_2 = arith.cmpi ne, %convert_element_type3A, %cond3A : i32
    scf.if %cond3A_2 {
      %mul3A_43 = arith.constant 1000 : i32
      %mul3A_44 = arith.muli %arg1, %mul3A_43 : i32
      %mul3A_45 = arith.constant 1000 : i32
      %mul3A_46 = arith.muli %arg1, %mul3A_45 : i32
      "tpu.region"() ({
        %run_scoped3A = tpu.sem_alloc : memref<!tpu.dma_semaphore, #tpu.memory_space<semaphore_mem>>
        %dma_start3A = tpu.memref_slice %arg5[%mul3A_46] : memref<10000xf32, #tpu.memory_space<vmem_shared>> -> memref<1000xf32, #tpu.memory_space<vmem_shared>>
        %dma_start3A_47 = tpu.memref_slice %arg3[%mul3A_44] : memref<10000xf32, #tpu.memory_space<hbm>> -> memref<1000xf32, #tpu.memory_space<hbm>>
        tpu.enqueue_dma source(%dma_start3A_47 : memref<1000xf32, #tpu.memory_space<hbm>>) target(%dma_start3A : memref<1000xf32, #tpu.memory_space<vmem_shared>>) target_semaphore(%run_scoped3A : memref<!tpu.dma_semaphore, #tpu.memory_space<semaphore_mem>>)
        %dma_wait3A = tpu.memref_slice %arg5[%mul3A_46] : memref<10000xf32, #tpu.memory_space<vmem_shared>> -> memref<1000xf32, #tpu.memory_space<vmem_shared>>
        %dma_wait3A_48 = tpu.memref_slice %arg3[%mul3A_44] : memref<10000xf32, #tpu.memory_space<hbm>> -> memref<1000xf32, #tpu.memory_space<hbm>>
        tpu.wait_dma2 semaphore(%run_scoped3A : memref<!tpu.dma_semaphore, #tpu.memory_space<semaphore_mem>>) src(%dma_wait3A_48 : memref<1000xf32, #tpu.memory_space<hbm>>) dst(%dma_wait3A : memref<1000xf32, #tpu.memory_space<vmem_shared>>)
        tpu.yield
      }) : () -> ()
    } else {
    }
    %broadcast_in_dim3A = arith.constant 1.000000e+00 : f32
    %broadcast_in_dim3A_3 = vector.broadcast %broadcast_in_dim3A : f32 to vector<16xf32>
    %swap3A = arith.constant 0 : index
    %swap3A_4 = tpu.vector_load %arg7[%swap3A] {strides = array<i32>} : memref<80xf32, #tpu.memory_space<vmem>>, vector<16xf32>,
    %swap3A_5 = vector.shape_cast %swap3A_4 : vector<16xf32> to vector<16xf32>
    %swap3A_6 = vector.shape_cast %broadcast_in_dim3A_3 : vector<16xf32> to vector<16xf32>
    tpu.vector_store %arg7[%swap3A], %swap3A_6 {strides = array<i32>} : memref<80xf32, #tpu.memory_space<vmem>>, vector<16xf32>,
    %broadcast_in_dim3A_7 = arith.constant 1.000000e+00 : f32
    %broadcast_in_dim3A_8 = vector.broadcast %broadcast_in_dim3A_7 : f32 to vector<16xf32>
    %swap3A_9 = arith.constant 16 : index
    %swap3A_10 = tpu.vector_load %arg7[%swap3A_9] {strides = array<i32>} : memref<80xf32, #tpu.memory_space<vmem>>, vector<16xf32>,
    %swap3A_11 = vector.shape_cast %swap3A_10 : vector<16xf32> to vector<16xf32>
    %swap3A_12 = vector.shape_cast %broadcast_in_dim3A_8 : vector<16xf32> to vector<16xf32>
    tpu.vector_store %arg7[%swap3A_9], %swap3A_12 {strides = array<i32>} : memref<80xf32, #tpu.memory_space<vmem>>, vector<16xf32>,
    %broadcast_in_dim3A_13 = arith.constant 1.000000e+00 : f32
    %broadcast_in_dim3A_14 = vector.broadcast %broadcast_in_dim3A_13 : f32 to vector<16xf32>
    %swap3A_15 = arith.constant 32 : index
    %swap3A_16 = tpu.vector_load %arg7[%swap3A_15] {strides = array<i32>} : memref<80xf32, #tpu.memory_space<vmem>>, vector<16xf32>,
    %swap3A_17 = vector.shape_cast %swap3A_16 : vector<16xf32> to vector<16xf32>
    %swap3A_18 = vector.shape_cast %broadcast_in_dim3A_14 : vector<16xf32> to vector<16xf32>
    tpu.vector_store %arg7[%swap3A_15], %swap3A_18 {strides = array<i32>} : memref<80xf32, #tpu.memory_space<vmem>>, vector<16xf32>,
    %broadcast_in_dim3A_19 = arith.constant 1.000000e+00 : f32
    %broadcast_in_dim3A_20 = vector.broadcast %broadcast_in_dim3A_19 : f32 to vector<16xf32>
    %swap3A_21 = arith.constant 48 : index
    %swap3A_22 = tpu.vector_load %arg7[%swap3A_21] {strides = array<i32>} : memref<80xf32, #tpu.memory_space<vmem>>, vector<16xf32>,
    %swap3A_23 = vector.shape_cast %swap3A_22 : vector<16xf32> to vector<16xf32>
    %swap3A_24 = vector.shape_cast %broadcast_in_dim3A_20 : vector<16xf32> to vector<16xf32>
    tpu.vector_store %arg7[%swap3A_21], %swap3A_24 {strides = array<i32>} : memref<80xf32, #tpu.memory_space<vmem>>, vector<16xf32>,
    %broadcast_in_dim3A_25 = arith.constant 1.000000e+00 : f32
    %broadcast_in_dim3A_26 = vector.broadcast %broadcast_in_dim3A_25 : f32 to vector<16xf32>
    %swap3A_27 = arith.constant 64 : index
    %swap3A_28 = tpu.vector_load %arg7[%swap3A_27] {strides = array<i32>} : memref<80xf32, #tpu.memory_space<vmem>>, vector<16xf32>,
    %swap3A_29 = vector.shape_cast %swap3A_28 : vector<16xf32> to vector<16xf32>
    %swap3A_30 = vector.shape_cast %broadcast_in_dim3A_26 : vector<16xf32> to vector<16xf32>
    tpu.vector_store %arg7[%swap3A_27], %swap3A_30 {strides = array<i32>} : memref<80xf32, #tpu.memory_space<vmem>>, vector<16xf32>,
    %mul3A_31 = arith.constant 125 : i32
    %mul3A_32 = arith.muli %add3A, %mul3A_31 : i32
    "tpu.region"() ({
      %run_scoped3A = tpu.sem_alloc : memref<!tpu.dma_semaphore, #tpu.memory_space<semaphore_mem>>
      %dma_start3A = arith.constant 0 : i32
      %dma_start3A_43 = tpu.memref_slice %arg2[%mul3A_32, %dma_start3A] : memref<4000x80xi32, #tpu.memory_space<hbm>> -> memref<125x80xi32, #tpu.memory_space<hbm>>
      %dma_start3A_44 = arith.constant 0 : i32
      %dma_start3A_45 = tpu.memref_slice %arg2[%mul3A_32, %dma_start3A_44] : memref<4000x80xi32, #tpu.memory_space<hbm>> -> memref<125x80xi32, #tpu.memory_space<hbm>>
      tpu.enqueue_dma source(%dma_start3A_45 : memref<125x80xi32, #tpu.memory_space<hbm>>) target(%arg6 : memref<125x80xi32, #tpu.memory_space<vmem>>) target_semaphore(%run_scoped3A : memref<!tpu.dma_semaphore, #tpu.memory_space<semaphore_mem>>)
      %dma_wait3A = arith.constant 0 : i32
      %dma_wait3A_46 = tpu.memref_slice %arg2[%mul3A_32, %dma_wait3A] : memref<4000x80xi32, #tpu.memory_space<hbm>> -> memref<125x80xi32, #tpu.memory_space<hbm>>
      %dma_wait3A_47 = arith.constant 0 : i32
      %dma_wait3A_48 = tpu.memref_slice %arg2[%mul3A_32, %dma_wait3A_47] : memref<4000x80xi32, #tpu.memory_space<hbm>> -> memref<125x80xi32, #tpu.memory_space<hbm>>
      tpu.wait_dma2 semaphore(%run_scoped3A : memref<!tpu.dma_semaphore, #tpu.memory_space<semaphore_mem>>) src(%dma_wait3A_48 : memref<125x80xi32, #tpu.memory_space<hbm>>) dst(%arg6 : memref<125x80xi32, #tpu.memory_space<vmem>>)
      tpu.yield
    }) : () -> ()
    %barrier3A = arith.constant 0 : index
    tpu.barrier barrier_id(%barrier3A)
    %scan3A = arith.constant 0 : i32
    %scan3A_33 = arith.constant 125 : i32
    %scan3A_34 = arith.addi %scan3A, %scan3A_33 : i32
    %scan3A_35 = arith.constant 1 : i32
    scf.for %scan3A_43 = %scan3A to %scan3A_34 step %scan3A_35  : i32 {
      "tpu.region"() ({
        %run_scoped3A = tpu.sem_alloc : memref<!tpu.dma_semaphore, #tpu.memory_space<semaphore_mem>>
        %dma_start3A = arith.constant 0 : i32
        %dma_start3A_44 = tpu.memref_slice %arg6[%scan3A_43, %dma_start3A] : memref<125x80xi32, #tpu.memory_space<vmem>> -> memref<1x80xi32, #tpu.memory_space<vmem>>
        %dma_start3A_45 = tpu.memref_squeeze %dma_start3A_44 : memref<1x80xi32, #tpu.memory_space<vmem>> -> memref<80xi32, #tpu.memory_space<vmem>>
        %dma_start3A_46 = arith.constant 0 : i32
        %dma_start3A_47 = tpu.memref_slice %arg5[%dma_start3A_46] : memref<10000xf32, #tpu.memory_space<vmem_shared>> -> memref<10000xf32, #tpu.memory_space<vmem_shared>>
        tpu.enqueue_indirect_dma source(%arg7 : memref<80xf32, #tpu.memory_space<vmem>>) target(%dma_start3A_47 : memref<10000xf32, #tpu.memory_space<vmem_shared>>) offsets(%dma_start3A_45 : memref<80xi32, #tpu.memory_space<vmem>>) semaphore(%run_scoped3A : memref<!tpu.dma_semaphore, #tpu.memory_space<semaphore_mem>>) {add = true}
        %dma_wait3A = arith.constant 0 : i32
        %dma_wait3A_48 = tpu.memref_slice %arg6[%scan3A_43, %dma_wait3A] : memref<125x80xi32, #tpu.memory_space<vmem>> -> memref<1x80xi32, #tpu.memory_space<vmem>>
        %dma_wait3A_49 = tpu.memref_squeeze %dma_wait3A_48 : memref<1x80xi32, #tpu.memory_space<vmem>> -> memref<80xi32, #tpu.memory_space<vmem>>
        %dma_wait3A_50 = arith.constant 0 : i32
        %dma_wait3A_51 = tpu.memref_slice %arg5[%dma_wait3A_50] : memref<10000xf32, #tpu.memory_space<vmem_shared>> -> memref<10000xf32, #tpu.memory_space<vmem_shared>>
        tpu.wait_indirect_dma semaphore(%run_scoped3A : memref<!tpu.dma_semaphore, #tpu.memory_space<semaphore_mem>>) src(%arg7 : memref<80xf32, #tpu.memory_space<vmem>>) dst(%dma_wait3A_51 : memref<10000xf32, #tpu.memory_space<vmem_shared>>)
        tpu.yield
      }) : () -> ()
    }
    %scan3A_36 = arith.constant 125 : i32
    %barrier3A_37 = arith.constant 0 : index
    tpu.barrier barrier_id(%barrier3A_37)
    %lt3A_38 = arith.constant 10 : i32
    %lt3A_39 = arith.cmpi slt, %arg1, %lt3A_38 : i32
    %convert_element_type3A_40 = arith.extui %lt3A_39 : i1 to i32
    %cond3A_41 = arith.constant 0 : i32
    %cond3A_42 = arith.cmpi ne, %convert_element_type3A_40, %cond3A_41 : i32
    scf.if %cond3A_42 {
      %mul3A_43 = arith.constant 1000 : i32
      %mul3A_44 = arith.muli %arg1, %mul3A_43 : i32
      %mul3A_45 = arith.constant 10000 : i32
      %mul3A_46 = arith.muli %arg0, %mul3A_45 : i32
      %mul3A_47 = arith.constant 1000 : i32
      %mul3A_48 = arith.muli %arg1, %mul3A_47 : i32
      %add3A_49 = arith.addi %mul3A_46, %mul3A_48 : i32
      "tpu.region"() ({
        %run_scoped3A = tpu.sem_alloc : memref<!tpu.dma_semaphore, #tpu.memory_space<semaphore_mem>>
        %dma_start3A = tpu.memref_slice %arg4[%add3A_49] : memref<20000xf32, #tpu.memory_space<hbm>> -> memref<1000xf32, #tpu.memory_space<hbm>>
        %dma_start3A_50 = tpu.memref_slice %arg5[%mul3A_44] : memref<10000xf32, #tpu.memory_space<vmem_shared>> -> memref<1000xf32, #tpu.memory_space<vmem_shared>>
        tpu.enqueue_dma source(%dma_start3A_50 : memref<1000xf32, #tpu.memory_space<vmem_shared>>) target(%dma_start3A : memref<1000xf32, #tpu.memory_space<hbm>>) target_semaphore(%run_scoped3A : memref<!tpu.dma_semaphore, #tpu.memory_space<semaphore_mem>>)
        %dma_wait3A = tpu.memref_slice %arg4[%add3A_49] : memref<20000xf32, #tpu.memory_space<hbm>> -> memref<1000xf32, #tpu.memory_space<hbm>>
        %dma_wait3A_51 = tpu.memref_slice %arg5[%mul3A_44] : memref<10000xf32, #tpu.memory_space<vmem_shared>> -> memref<1000xf32, #tpu.memory_space<vmem_shared>>
        tpu.wait_dma2 semaphore(%run_scoped3A : memref<!tpu.dma_semaphore, #tpu.memory_space<semaphore_mem>>) src(%dma_wait3A_51 : memref<1000xf32, #tpu.memory_space<vmem_shared>>) dst(%dma_wait3A : memref<1000xf32, #tpu.memory_space<hbm>>)
        tpu.yield
      }) : () -> ()
    } else {
    }
    return
  }
}

module attributes {stable_mosaic.version = 14 : i64} {
  func.func @_bnmm_body(%arg0: memref<10000x128xf32, #tpu.memory_space<vmem>>, %arg1: memref<10000x1xf32, #tpu.memory_space<vmem>>, %arg2: memref<10000x1xf32, #tpu.memory_space<vmem>>, %arg3: memref<128xf32, #tpu.memory_space<vmem>>, %arg4: memref<128xf32, #tpu.memory_space<vmem>>, %arg5: memref<128x128xf32, #tpu.memory_space<vmem>>, %arg6: memref<10000x128xf32, #tpu.memory_space<vmem>>) attributes {dimension_semantics = [], scalar_prefetch = 0 : i64, scratch_operands = 0 : i64, tpu.core_type = #tpu.core_type<tc>} {
    %get3A = arith.constant 0 : index
    %get3A_0 = arith.constant 0 : index
    %get3A_1 = vector.load %arg0[%get3A, %get3A_0] : memref<10000x128xf32, #tpu.memory_space<vmem>>, vector<10000x128xf32>
    %reduce_sum3A = arith.constant dense<0.000000e+00> : vector<128xf32>
    %reduce_sum3A_2 = vector.multi_reduction <add>, %get3A_1, %reduce_sum3A [0] : vector<10000x128xf32> to vector<128xf32>
    %broadcast_in_dim3A = vector.shape_cast %reduce_sum3A_2 : vector<128xf32> to vector<1x128xf32>
    %div3A = arith.constant 1.000000e+04 : f32
    %div3A_3 = vector.broadcast %div3A : f32 to vector<1x128xf32>
    %div3A_4 = arith.divf %broadcast_in_dim3A, %div3A_3 : vector<1x128xf32>
    %sub3A = vector.broadcast %div3A_4 : vector<1x128xf32> to vector<10000x128xf32>
    %sub3A_5 = arith.subf %get3A_1, %sub3A : vector<10000x128xf32>
    %mul3A = arith.mulf %sub3A_5, %sub3A_5 : vector<10000x128xf32>
    %reduce_sum3A_6 = arith.constant dense<0.000000e+00> : vector<128xf32>
    %reduce_sum3A_7 = vector.multi_reduction <add>, %mul3A, %reduce_sum3A_6 [0] : vector<10000x128xf32> to vector<128xf32>
    %broadcast_in_dim3A_8 = vector.shape_cast %reduce_sum3A_7 : vector<128xf32> to vector<1x128xf32>
    %div3A_9 = arith.constant 1.000000e+04 : f32
    %div3A_10 = vector.broadcast %div3A_9 : f32 to vector<1x128xf32>
    %div3A_11 = arith.divf %broadcast_in_dim3A_8, %div3A_10 : vector<1x128xf32>
    %get3A_12 = arith.constant 0 : index
    %get3A_13 = vector.load %arg3[%get3A_12] : memref<128xf32, #tpu.memory_space<vmem>>, vector<128xf32>
    %add3A = arith.constant 9.99999974E-6 : f32
    %add3A_14 = vector.broadcast %add3A : f32 to vector<1x128xf32>
    %add3A_15 = arith.addf %div3A_11, %add3A_14 : vector<1x128xf32>
    %rsqrt3A = math.rsqrt %add3A_15 : vector<1x128xf32>
    %broadcast_in_dim3A_16 = vector.shape_cast %get3A_13 : vector<128xf32> to vector<1x128xf32>
    %mul3A_17 = arith.mulf %broadcast_in_dim3A_16, %rsqrt3A : vector<1x128xf32>
    %mul3A_18 = vector.broadcast %mul3A_17 : vector<1x128xf32> to vector<10000x128xf32>
    %mul3A_19 = arith.mulf %sub3A_5, %mul3A_18 : vector<10000x128xf32>
    %get3A_20 = arith.constant 0 : index
    %get3A_21 = vector.load %arg4[%get3A_20] : memref<128xf32, #tpu.memory_space<vmem>>, vector<128xf32>
    %broadcast_in_dim3A_22 = vector.shape_cast %get3A_21 : vector<128xf32> to vector<1x128xf32>
    %add3A_23 = vector.broadcast %broadcast_in_dim3A_22 : vector<1x128xf32> to vector<10000x128xf32>
    %add3A_24 = arith.addf %mul3A_19, %add3A_23 : vector<10000x128xf32>
    %get3A_25 = arith.constant 0 : index
    %get3A_26 = arith.constant 0 : index
    %get3A_27 = vector.load %arg1[%get3A_25, %get3A_26] : memref<10000x1xf32, #tpu.memory_space<vmem>>, vector<10000x1xf32>
    %get3A_28 = arith.constant 0 : index
    %get3A_29 = arith.constant 0 : index
    %get3A_30 = vector.load %arg2[%get3A_28, %get3A_29] : memref<10000x1xf32, #tpu.memory_space<vmem>>, vector<10000x1xf32>
    %add3A_31 = arith.addf %get3A_27, %get3A_30 : vector<10000x1xf32>
    %add3A_32 = arith.constant 1.000000e+00 : f32
    %add3A_33 = vector.broadcast %add3A_32 : f32 to vector<10000x1xf32>
    %add3A_34 = arith.addf %add3A_31, %add3A_33 : vector<10000x1xf32>
    %rsqrt3A_35 = math.rsqrt %add3A_34 : vector<10000x1xf32>
    %get3A_36 = arith.constant 0 : index
    %get3A_37 = arith.constant 0 : index
    %get3A_38 = vector.load %arg5[%get3A_36, %get3A_37] : memref<128x128xf32, #tpu.memory_space<vmem>>, vector<128x128xf32>
    %dot_general3A = arith.constant dense<0.000000e+00> : vector<10000x128xf32>
    %dot_general3A_39 = tpu.matmul %add3A_24, %get3A_38, %dot_general3A {dimension_numbers = #tpu.dot_dimension_numbers<[1], [0], [0], [1], [0, 0, 1, 1], [], []>, transpose_lhs_hint = false} : vector<10000x128xf32>, vector<128x128xf32>, vector<10000x128xf32> -> vector<10000x128xf32>
    %mul3A_40 = vector.broadcast %rsqrt3A_35 : vector<10000x1xf32> to vector<10000x128xf32>
    %mul3A_41 = arith.mulf %dot_general3A_39, %mul3A_40 : vector<10000x128xf32>
    %swap3A = arith.constant 0 : index
    %swap3A_42 = arith.constant 0 : index
    %swap3A_43 = vector.load %arg6[%swap3A, %swap3A_42] : memref<10000x128xf32, #tpu.memory_space<vmem>>, vector<10000x128xf32>
    tpu.vector_store %arg6[%swap3A, %swap3A_42], %mul3A_41 {strides = array<i32>} : memref<10000x128xf32, #tpu.memory_space<vmem>>, vector<10000x128xf32>,
    return
  }
}

module attributes {stable_mosaic.version = 14 : i64} {
  func.func @_final_body(%arg0: memref<20000x128xf32, #tpu.memory_space<vmem>>, %arg1: memref<10000x128xf32, #tpu.memory_space<vmem>>, %arg2: memref<10000x1xf32, #tpu.memory_space<vmem>>, %arg3: memref<10000x1xf32, #tpu.memory_space<vmem>>, %arg4: memref<128xf32, #tpu.memory_space<vmem>>, %arg5: memref<128xf32, #tpu.memory_space<vmem>>, %arg6: memref<128xf32, #tpu.memory_space<vmem>>, %arg7: memref<1x10000xi32, #tpu.memory_space<vmem>>, %arg8: memref<128x16xf32, #tpu.memory_space<vmem>>, %arg9: memref<16xf32, #tpu.memory_space<vmem>>, %arg10: memref<64x16xf32, #tpu.memory_space<vmem>>) attributes {dimension_semantics = [], scalar_prefetch = 0 : i64, scratch_operands = 0 : i64, tpu.core_type = #tpu.core_type<tc>} {
    %get3A = arith.constant 0 : index
    %get3A_0 = arith.constant 0 : index
    %get3A_1 = vector.load %arg0[%get3A, %get3A_0] : memref<20000x128xf32, #tpu.memory_space<vmem>>, vector<10000x128xf32>
    %get3A_2 = arith.constant 10000 : index
    %get3A_3 = arith.constant 0 : index
    %get3A_4 = vector.load %arg0[%get3A_2, %get3A_3] : memref<20000x128xf32, #tpu.memory_space<vmem>>, vector<10000x128xf32>
    %add3A = arith.addf %get3A_1, %get3A_4 : vector<10000x128xf32>
    %get3A_5 = arith.constant 0 : index
    %get3A_6 = arith.constant 0 : index
    %get3A_7 = vector.load %arg1[%get3A_5, %get3A_6] : memref<10000x128xf32, #tpu.memory_space<vmem>>, vector<10000x128xf32>
    %add3A_8 = arith.addf %add3A, %get3A_7 : vector<10000x128xf32>
    %get3A_9 = arith.constant 0 : index
    %get3A_10 = arith.constant 0 : index
    %get3A_11 = vector.load %arg2[%get3A_9, %get3A_10] : memref<10000x1xf32, #tpu.memory_space<vmem>>, vector<10000x1xf32>
    %get3A_12 = arith.constant 0 : index
    %get3A_13 = arith.constant 0 : index
    %get3A_14 = vector.load %arg3[%get3A_12, %get3A_13] : memref<10000x1xf32, #tpu.memory_space<vmem>>, vector<10000x1xf32>
    %add3A_15 = arith.addf %get3A_11, %get3A_14 : vector<10000x1xf32>
    %add3A_16 = arith.constant 1.000000e+00 : f32
    %add3A_17 = vector.broadcast %add3A_16 : f32 to vector<10000x1xf32>
    %add3A_18 = arith.addf %add3A_15, %add3A_17 : vector<10000x1xf32>
    %rsqrt3A = math.rsqrt %add3A_18 : vector<10000x1xf32>
    %mul3A = vector.broadcast %rsqrt3A : vector<10000x1xf32> to vector<10000x128xf32>
    %mul3A_19 = arith.mulf %add3A_8, %mul3A : vector<10000x128xf32>
    %get3A_20 = arith.constant 0 : index
    %get3A_21 = vector.load %arg4[%get3A_20] : memref<128xf32, #tpu.memory_space<vmem>>, vector<128xf32>
    %broadcast_in_dim3A = vector.shape_cast %get3A_21 : vector<128xf32> to vector<1x128xf32>
    %add3A_22 = vector.broadcast %broadcast_in_dim3A : vector<1x128xf32> to vector<10000x128xf32>
    %add3A_23 = arith.addf %mul3A_19, %add3A_22 : vector<10000x128xf32>
    %max3A = arith.constant 0.000000e+00 : f32
    %max3A_24 = vector.broadcast %max3A : f32 to vector<10000x128xf32>
    %max3A_25 = arith.maximumf %add3A_23, %max3A_24 : vector<10000x128xf32>
    %reduce_sum3A = arith.constant dense<0.000000e+00> : vector<10000xf32>
    %reduce_sum3A_26 = vector.multi_reduction <add>, %max3A_25, %reduce_sum3A [1] : vector<10000x128xf32> to vector<10000xf32>
    %broadcast_in_dim3A_27 = vector.shape_cast %reduce_sum3A_26 : vector<10000xf32> to vector<10000x1xf32>
    %div3A = arith.constant 1.280000e+02 : f32
    %div3A_28 = vector.broadcast %div3A : f32 to vector<10000x1xf32>
    %div3A_29 = arith.divf %broadcast_in_dim3A_27, %div3A_28 : vector<10000x1xf32>
    %sub3A = vector.broadcast %div3A_29 : vector<10000x1xf32> to vector<10000x128xf32>
    %sub3A_30 = arith.subf %max3A_25, %sub3A : vector<10000x128xf32>
    %mul3A_31 = arith.mulf %sub3A_30, %sub3A_30 : vector<10000x128xf32>
    %reduce_sum3A_32 = arith.constant dense<0.000000e+00> : vector<10000xf32>
    %reduce_sum3A_33 = vector.multi_reduction <add>, %mul3A_31, %reduce_sum3A_32 [1] : vector<10000x128xf32> to vector<10000xf32>
    %broadcast_in_dim3A_34 = vector.shape_cast %reduce_sum3A_33 : vector<10000xf32> to vector<10000x1xf32>
    %div3A_35 = arith.constant 1.280000e+02 : f32
    %div3A_36 = vector.broadcast %div3A_35 : f32 to vector<10000x1xf32>
    %div3A_37 = arith.divf %broadcast_in_dim3A_34, %div3A_36 : vector<10000x1xf32>
    %get3A_38 = arith.constant 0 : index
    %get3A_39 = vector.load %arg5[%get3A_38] : memref<128xf32, #tpu.memory_space<vmem>>, vector<128xf32>
    %add3A_40 = arith.constant 9.99999974E-6 : f32
    %add3A_41 = vector.broadcast %add3A_40 : f32 to vector<10000x1xf32>
    %add3A_42 = arith.addf %div3A_37, %add3A_41 : vector<10000x1xf32>
    %rsqrt3A_43 = math.rsqrt %add3A_42 : vector<10000x1xf32>
    %broadcast_in_dim3A_44 = vector.shape_cast %get3A_39 : vector<128xf32> to vector<1x128xf32>
    %mul3A_45 = vector.broadcast %broadcast_in_dim3A_44 : vector<1x128xf32> to vector<10000x128xf32>
    %mul3A_46 = vector.broadcast %rsqrt3A_43 : vector<10000x1xf32> to vector<10000x128xf32>
    %mul3A_47 = arith.mulf %mul3A_45, %mul3A_46 : vector<10000x128xf32>
    %mul3A_48 = arith.mulf %sub3A_30, %mul3A_47 : vector<10000x128xf32>
    %get3A_49 = arith.constant 0 : index
    %get3A_50 = vector.load %arg6[%get3A_49] : memref<128xf32, #tpu.memory_space<vmem>>, vector<128xf32>
    %broadcast_in_dim3A_51 = vector.shape_cast %get3A_50 : vector<128xf32> to vector<1x128xf32>
    %add3A_52 = vector.broadcast %broadcast_in_dim3A_51 : vector<1x128xf32> to vector<10000x128xf32>
    %add3A_53 = arith.addf %mul3A_48, %add3A_52 : vector<10000x128xf32>
    %iota3A = tpu.iota {dimensions = array<i32: 0>} : vector<64x10000xi32>
    %get3A_54 = arith.constant 0 : index
    %get3A_55 = arith.constant 0 : index
    %get3A_56 = vector.load %arg7[%get3A_54, %get3A_55] : memref<1x10000xi32, #tpu.memory_space<vmem>>, vector<1x10000xi32>
    %eq3A = vector.broadcast %get3A_56 : vector<1x10000xi32> to vector<64x10000xi32>
    %eq3A_57 = arith.cmpi eq, %iota3A, %eq3A : vector<64x10000xi32>
    %convert_element_type3A = arith.extui %eq3A_57 : vector<64x10000xi1> to vector<64x10000xi32>
    %convert_element_type3A_58 = arith.sitofp %convert_element_type3A : vector<64x10000xi32> to vector<64x10000xf32>
    %dot_general3A = arith.constant dense<0.000000e+00> : vector<64x128xf32>
    %dot_general3A_59 = tpu.matmul %convert_element_type3A_58, %add3A_53, %dot_general3A {dimension_numbers = #tpu.dot_dimension_numbers<[1], [0], [0], [1], [0, 0, 1, 1], [], []>, transpose_lhs_hint = false} : vector<64x10000xf32>, vector<10000x128xf32>, vector<64x128xf32> -> vector<64x128xf32>
    %broadcast_in_dim3A_60 = arith.constant 1.000000e+00 : f32
    %broadcast_in_dim3A_61 = vector.broadcast %broadcast_in_dim3A_60 : f32 to vector<10000x1xf32>
    %dot_general3A_62 = arith.constant dense<0.000000e+00> : vector<64x1xf32>
    %dot_general3A_63 = tpu.matmul %convert_element_type3A_58, %broadcast_in_dim3A_61, %dot_general3A_62 {dimension_numbers = #tpu.dot_dimension_numbers<[1], [0], [0], [1], [0, 0, 1, 1], [], []>, transpose_lhs_hint = false} : vector<64x10000xf32>, vector<10000x1xf32>, vector<64x1xf32> -> vector<64x1xf32>
    %max3A_64 = arith.constant 1.000000e+00 : f32
    %max3A_65 = vector.broadcast %max3A_64 : f32 to vector<64x1xf32>
    %max3A_66 = arith.maximumf %dot_general3A_63, %max3A_65 : vector<64x1xf32>
    %div3A_67 = vector.broadcast %max3A_66 : vector<64x1xf32> to vector<64x128xf32>
    %div3A_68 = arith.divf %dot_general3A_59, %div3A_67 : vector<64x128xf32>
    %get3A_69 = arith.constant 0 : index
    %get3A_70 = arith.constant 0 : index
    %get3A_71 = vector.load %arg8[%get3A_69, %get3A_70] : memref<128x16xf32, #tpu.memory_space<vmem>>, vector<128x16xf32>
    %dot_general3A_72 = arith.constant dense<0.000000e+00> : vector<64x16xf32>
    %dot_general3A_73 = tpu.matmul %div3A_68, %get3A_71, %dot_general3A_72 {dimension_numbers = #tpu.dot_dimension_numbers<[1], [0], [0], [1], [0, 0, 1, 1], [], []>, transpose_lhs_hint = false} : vector<64x128xf32>, vector<128x16xf32>, vector<64x16xf32> -> vector<64x16xf32>
    %get3A_74 = arith.constant 0 : index
    %get3A_75 = vector.load %arg9[%get3A_74] : memref<16xf32, #tpu.memory_space<vmem>>, vector<16xf32>
    %broadcast_in_dim3A_76 = vector.shape_cast %get3A_75 : vector<16xf32> to vector<1x16xf32>
    %add3A_77 = vector.broadcast %broadcast_in_dim3A_76 : vector<1x16xf32> to vector<64x16xf32>
    %add3A_78 = arith.addf %dot_general3A_73, %add3A_77 : vector<64x16xf32>
    %swap3A = arith.constant 0 : index
    %swap3A_79 = arith.constant 0 : index
    %swap3A_80 = vector.load %arg10[%swap3A, %swap3A_79] : memref<64x16xf32, #tpu.memory_space<vmem>>, vector<64x16xf32>
    tpu.vector_store %arg10[%swap3A, %swap3A_79], %add3A_78 {strides = array<i32>} : memref<64x16xf32, #tpu.memory_space<vmem>>, vector<64x16xf32>,
    return
  }
}

</mosaic_0001>

<sc_bundles>
// kernel: kernel.6.cloned.1.call-start
scs
__scs_entry_jumppad:
0x0: {  	(pc) =	sbr.rel $0x88, $3  }
0x1: {  	(tag) =	ssettag $0x0;
	lr =	simm.s32 $0x1  }
0x2: {  	[smem:$0x3F96] =	sst lr;
	_ =	strace $0xD0000000  }
0x3: {  	_ = 	snop  }
0x4: {  	_ = 	snop  }
0x5: {  	_ = 	snop  }
0x6: {  	_ = 	snop  }
0x7: {  	_ = 	snop  }
__scs_overlays_trampoline_lowered:
0x8: {  	[smem:$0x3FA5] =	sst s0  }
0x9: {  	[smem:$0x3FA6] =	sst s1  }
0xa: {  	[smem:$0x3FA7] =	sst s2  }
0xb: {  	[smem:$0x3FA8] =	sst s3  }
0xc: {  	[smem:$0x3FA9] =	sst s4  }
0xd: {  	[smem:$0x3FAA] =	sst s5  }
0xe: {  	[smem:$0x3FAB] =	sst s6  }
0xf: {  	[smem:$0x3FAC] =	sst s7  }
0x10: {  	[smem:$0x3FAD] =	sst s8  }
0x11: {  	[smem:$0x3FAE] =	sst s9;
	s0 =	simm.s32 @!p0 $0x0  }
0x12: {  	s1 =	sld [smem:$0x3F94];
	s0 =	simm.s32 @p0 $0x1  }
0x13: {  	[smem:$0x3FAF] =	sst s0;
	s0 =	simm.s32 @!p1 $0x0  }
0x14: {  	s2 =	sld [smem:$0x3F93];
	s0 =	simm.s32 @p1 $0x1  }
0x15: {  	[smem:$0x3FB0] =	sst s0;
	s0 =	simm.s32 @!p2 $0x0  }
0x16: {  	s3 =	sld [smem:$0x3FDB];
	s0 =	simm.s32 @p2 $0x1  }
0x17: {  	s4 =	simm.s32 $0x1BF5;
	[smem:$0x3FB2] =	sst s0  }
0x18: {  	s0 =	sld [smem:$0x3F95];
	_ =	swait.ge [sflag:s4], $0x0  }
0x19: {  	s7 =	sld [smem:$0x3F96]  }
0x1a: {  	s8 =	sadd.s32 $0xFFFFE003, lr  }
0x1b: {  	s9 =	sadd.s32 $0xFFFFFEF7, lr;
	s5 =	simm.s32 $0xFFFFFFFF;
	p2 =	slt.u32 s8, $0xFFFFF086  }
0x1c: {  	p1 =	slt.u32 s9, $0xF7A;
	s5 =	simm.s32 @!p2 $0x0  }
0x1d: {  	s5 =	simm.s32 @p1 $0x1;
	p0 =	seq.s32 s7, s2  }
0x1e: {  	s7 =	smul.u32 @!p0 $0xF7A, s2;
	p2 =	seq.s32 @!p0 s5, $0x0  }
0x1f: {  	s9 =	smul.u32 $0xF7A, s1;
	s8 =	simm.s32 @!p0 $0x1BF5;
	p2 =	por !p2, p0  }
0x20: {  	[sflag:s8] =	ssyncset.s32 @!p0 $0xFFFFF086;
	s6 =	sadd.s32 @!p0 s3, s7;
	s7 =	simm.s32 @!p0 $0x108  }
0x21: {  	s3 =	sadd.s32 s3, s9;
	s6 =	sadd.s32 @!p0 $0x88, s6;
	s7 =	simm.s32 @p2 $0x1082  }
0x22: {  	[simem:s7], [sflag:s8] =	dma.local @!p0 [hbm:s6], $0xF7A  }
0x23: {  	s9 =	sor.u32 $0xD0000000, s2;
	s6 =	simm.s32 $0x108;
	_ =	swait.ge @!p0 [sflag:s8], $0x0  }
0x24: {  	s3 =	sadd.s32 $0x88, s3;
	s6 =	simm.s32 @!p1 $0x1082;
	[sflag:s4] =	ssyncset.s32 $0xFFFFF086  }
0x25: {  	[simem:s6], [sflag:s4] =	dma.local [hbm:s3], $0xF7A  }
0x26: {  	[smem:$0x3F96] =	sst s1;
	(tag) =	ssettag s2;
	_ =	strace s9  }
0x27: {  	s1 =	sld [smem:$0x3FA6]  }
0x28: {  	s2 =	sld [smem:$0x3FA7]  }
0x29: {  	s4 =	sld [smem:$0x3FA9]  }
0x2a: {  	p0 =	seq.s32 s5, $0x0;
	s5 =	sld [smem:$0x3FAA]  }
0x2b: {  	s6 =	sld [smem:$0x3FAB]  }
0x2c: {  	s7 =	sld [smem:$0x3FAC]  }
0x2d: {  	s3 =	simm.s32 $0x108;
	s8 =	sld [smem:$0x3FAD]  }
0x2e: {  	s3 =	simm.s32 @!p0 $0x1082;
	s9 =	sld [smem:$0x3FAE]  }
0x2f: {  	lr =	sadd.s32 s0, s3;
	s0 =	sld [smem:$0x3FA5]  }
0x30: {  	s3 =	sld [smem:$0x3FA8]  }
0x31: {  	[smem:$0x3FB1] =	sst s10  }
0x32: {  	s10 =	sld [smem:$0x3FAF];
	_ =	sdelay $0x3  }
0x33: {  	p0 =	seq.s32 s10, $0x1;
	s10 =	sld [smem:$0x3FB1];
	_ =	sdelay $0x3  }
0x34: {  	[smem:$0x3FB1] =	sst s10  }
0x35: {  	s10 =	sld [smem:$0x3FB0];
	_ =	sdelay $0x3  }
0x36: {  	p1 =	seq.s32 s10, $0x1;
	s10 =	sld [smem:$0x3FB1];
	_ =	sdelay $0x3  }
0x37: {  	[smem:$0x3FB1] =	sst s10  }
0x38: {  	s10 =	sld [smem:$0x3FB2]  }
0x39: {  	_ = 	snop;
	(pc) =	sbr.ind lr, $3  }
0x3a: {  	_ = 	snop  }
0x3b: {  	_ = 	snop  }
0x3c: {  	p2 =	seq.s32 s10, $0x1;
	s10 =	sld [smem:$0x3FB1]  }
0x3d: {  	_ =	shalt  }
0x3e: {  	_ =	shalt  }
0x3f: {  	_ =	shalt  }
0x40: {  	_ =	shalt  }
0x41: {  	_ =	shalt  }
0x42: {  	_ =	shalt  }
0x43: {  	_ =	shalt  }
0x44: {  	_ =	shalt  }
0x45: {  	_ =	shalt  }
0x46: {  	_ =	shalt  }
0x47: {  	_ =	shalt  }
0x48: {  	_ =	shalt  }
0x49: {  	_ =	shalt  }
0x4a: {  	_ =	shalt  }
0x4b: {  	_ =	shalt  }
0x4c: {  	_ =	shalt  }
0x4d: {  	_ =	shalt  }
0x4e: {  	_ =	shalt  }
0x4f: {  	_ =	shalt  }
0x50: {  	_ =	shalt  }
0x51: {  	_ =	shalt  }
0x52: {  	_ =	shalt  }
0x53: {  	_ =	shalt  }
0x54: {  	_ =	shalt  }
0x55: {  	_ =	shalt  }
0x56: {  	_ =	shalt  }
0x57: {  	_ =	shalt  }
0x58: {  	_ =	shalt  }
0x59: {  	_ =	shalt  }
0x5a: {  	_ =	shalt  }
0x5b: {  	_ =	shalt  }
0x5c: {  	_ =	shalt  }
0x5d: {  	_ =	shalt  }
0x5e: {  	_ =	shalt  }
0x5f: {  	_ =	shalt  }
0x60: {  	_ =	shalt  }
0x61: {  	_ =	shalt  }
0x62: {  	_ =	shalt  }
0x63: {  	_ =	shalt  }
0x64: {  	_ =	shalt  }
0x65: {  	_ =	shalt  }
0x66: {  	_ =	shalt  }
0x67: {  	_ =	shalt  }
0x68: {  	_ =	shalt  }
0x69: {  	_ =	shalt  }
0x6a: {  	_ =	shalt  }
0x6b: {  	_ =	shalt  }
0x6c: {  	_ =	shalt  }
0x6d: {  	_ =	shalt  }
0x6e: {  	_ =	shalt  }
0x6f: {  	_ =	shalt  }
0x70: {  	_ =	shalt  }
0x71: {  	_ =	shalt  }
0x72: {  	_ =	shalt  }
0x73: {  	_ =	shalt  }
0x74: {  	_ =	shalt  }
0x75: {  	_ =	shalt  }
0x76: {  	_ =	shalt  }
0x77: {  	_ =	shalt  }
0x78: {  	_ =	shalt  }
0x79: {  	_ =	shalt  }
0x7a: {  	_ =	shalt  }
0x7b: {  	_ =	shalt  }
0x7c: {  	_ =	shalt  }
0x7d: {  	_ =	shalt  }
0x7e: {  	_ =	shalt  }
0x7f: {  	_ =	shalt  }
0x80: {  	_ =	shalt  }
0x81: {  	_ =	shalt  }
0x82: {  	_ =	shalt  }
0x83: {  	_ =	shalt  }
0x84: {  	_ =	shalt  }
0x85: {  	_ =	shalt  }
0x86: {  	_ =	shalt  }
0x87: {  	_ =	shalt  }
.Lfunc_end0:
.L_simem_size_0:
called_computation_lowered:
.L_overlay_start_0:
0x88: {  	s2 =	sld [smem:$0x3FD9]  }
0x89: {  	s3 =	sld [smem:$0x3FFE];
	_ =	sdelay $0x1  }
0x8a: {  	s1 =	srdreg.scid  }
0x8b: {  	s0 =	sand.u32 $0x1, s1  }
0x8c: {  	s16 =	sshll.u32 s0, $0xA;
	s2 =	sadd.s32 s3, s2  }
0x8d: {  	s2 =	sadd.s32 s2, s16  }
0x8e: {  	[smem:$0x3FBD] =	sst s2  }
0x8f: {  	_ = 	snop  }
0x90: {  	(tm) =	ssettm $0x1  }
0x91: {  	s17 =	sld [smem:$0x3FFB];
	_ =	sdelay $0x3  }
0x92: {  	_ =	strace s17  }
0x93: {  	s2 =	sld [smem:$0x3FFC];
	_ =	sdelay $0x3  }
0x94: {  	_ =	strace s2  }
0x95: {  	s2 =	sld [smem:$0x3FFD];
	_ =	sdelay $0x3  }
0x96: {  	_ =	strace s2  }
0x97: {  	_ =	strace $0x8FFFFFFF  }
0x98: {  	s18 =	sld [smem:$0x3FDB];
	_ =	sdelay $0x1  }
0x99: {  	s19 =	simm.s32 $_scs_section_size  }
0x9a: {  	s4 =	simm.s32 $_size__tile_overlayer_lowered;
	s5 =	simm.s32 $_tile_overlayer_lowered  }
0x9b: {  	s22 =	simm.s32 $0x1BFF;
	s21 =	sshll.u32 s5, $0x1;
	s2 =	sadd.s32 s19, s18  }
0x9c: {  	s6 =	simm.s32 $0x0;
	s20 =	sshll.u32 s4, $0x1;
	s4 =	sadd.s32 s21, s2  }
0x9d: {  	[timem:s6], [sflag:s22] =	dma.local [hbm:s4], s20  }
0x9e: {  	_ =	swait.ge [sflag:s22], s20  }
0x9f: {  	s3 =	ssub.s32 $0x0, s20;
	[sflag:s22] =	ssyncset.done $0x0  }
0xa0: {  	[sflag:s22] =	ssyncadd.s32 s3;
	_ =	sdelay $0x1  }
0xa1: {  	s23 =	simm.s32 $0x1B8B  }
0xa2: {  	_ =	swait.ge [sflag:s23], $0x1  }
0xa3: {  	[sflag:s23] =	ssyncset.done $0x0  }
0xa4: {  	s25 =	simm.s32 $0x1B8E;
	s24 =	sld [smem:$0x3FFE];
	[sflag:s23] =	ssyncadd.s32 $0xFFFFFFFF  }
0xa5: {  	s26 =	simm.s32 $execute0_lowered;
	[smem:$0x3FD2] =	sst s25  }
0xa6: {  	s4 =	sshll.u32 s26, $0x1;
	_ =	strace $0x80000046;
	[dreg:$0x1] =	wrdreg $0xFFFFFFFF  }
0xa7: {  	s28 =	simm.s32 $_size_execute0_lowered;
	s2 =	sadd.s32 s2, s4;
	[dreg:$0x0] =	wrdreg $0x0  }
0xa8: {  	s4 =	sshll.u32 s28, $0x1;
	[dreg:$0x2] =	wrdreg s2  }
0xa9: {  	[dreg:$0x3] =	wrdreg s4  }
0xaa: {  	[dreg:$0x4] =	wrdreg $0xC0  }
0xab: {  	_ =	task [dreg:s6], $0x5FFFF  }
0xac: {  	[dreg:$0x1] =	wrdreg $0xFFFFFFFF  }
0xad: {  	[dreg:$0x0] =	wrdreg $0x60  }
0xae: {  	[dreg:$0x2] =	wrdreg s24  }
0xaf: {  	[dreg:$0x3] =	wrdreg $0x0  }
0xb0: {  	[dreg:$0x4] =	wrdreg $0x9  }
0xb1: {  	_ =	task.clear_ibuf [dreg:s6], $0x5FFFF;
	_ =	strace $0x90000046  }
0xb2: {  	s29 =	simm.s32 $0x9;
	_ =	strace $0x80000048  }
0xb3: {  	_ =	swait.ge [sflag:s29], $0x1  }
0xb4: {  	[sflag:s29] =	ssyncadd.s32 $0xFFFFFFFF  }
0xb5: {  	_ =	strace $0x90000048  }
0xb6: {  	_ =	sfence  }
0xb7: {  	s30 =	sld [smem:$0x0];
	_ =	sdelay $0x2  }
0xb8: {  	s31 =	sshll.u32 s1, $0xD;
	s1 =	sshrl.u32 s1, $0x2  }
0xb9: {  	s3 =	sand.u32 $0x4000, s31;
	s1 =	sadd.s32 s1, s30  }
0xba: {  	s0 =	sor.u32 s3, s0;
	s1 =	sshll.u32 s1, $0x11  }
0xbb: {  	s0 =	sor.u32 s1, s0  }
0xbc: {  	s0 =	sadd.s32 $0x8F2B, s0  }
0xbd: {  	[sflag:s0] =	ssyncadd.remote.s32 $0x1  }
0xbe: {  	_ =	sfence.sel $0xFFFF  }
0xbf: {  	[dreg:$0x0] =	wrdreg $0xFFFFFFFF;
	(pc) =	sbr.abs _section_cstart, $3  }
0xc0: {  	[dreg:$0x1] =	wrdreg $0xFFFFFFFF  }
0xc1: {  	_ =	task.clear_ibuf [dreg:s6], $0x2FFFF;
	_ =	strace $0x9FFFFFFF  }
0xc2: {  	(tm) =	ssettm $0x7FFFFFFF  }
0xc3: {  	_ =	shalt  }
tec
execute0_lowered:
.L_overlay_start_1:
0x0: {  	(tag) =	ssettag $0x1  }
0x1: {  	s5 =	rddreg [dreg:$0x0]  }
0x2: {  	s0 =	srdreg.scid;
	s2 =	rddreg [dreg:$0x1];
	s3 =	simm.s32 $0x0  }
0x3: {  	s12 =	simm.s32 $0x50;
	s4 =	sand.u32 $0x1, s0;
	s0 =	stileid.u32  }
0x4: {  	s13 =	simm.s32 $0x2988;
	s14 =	simm.s32 $0x0;
	s7 =	smul.u32 $0x3E8, s0  }
0x5: {  	[smem:$0x7FF] =	sst s3;
	s1 =	sshll.u32 s4, $0x4;
	s8 =	smul.u32 $0x2710, s4  }
0x6: {  	s4 =	ssub.s32 $0x2, s4;
	p0 =	sgt.u32 s0, $0x9;
	s1 =	sor.u32 s0, s1  }
0x7: {  	s31 =	sshrl.u32 s4, $0x1;
	s6 =	smul.u32 $0x4E2, s1;
	s1 =	rddreg [dreg:$0x2]  }
0x8: {  	_ =	strace $0x80000047;
	s8 =	sadd.s32 s7, s8;
	s9 =	sshrl.u32 s7, $0x3  }
0x9: {  	s10 =	ssub.s32 s4, s31;
	s11 =	sadd.s32 s7, s2;
	s8 =	sshrl.u32 s8, $0x3  }
0xa: {  	s9 =	sadd.s32 s9, s5;
	s7 =	smax.u32 s10, $0x1;
	s10 =	simm.s32 $0x278  }
0xb: {  	s6 =	sadd.s32 s6, s5;
	s8 =	sadd.s32 s8, s5;
	s4 =	sadd.s32 $0x16200, s9  }
0xc: {  	s9 =	sshll.u32 @!p0 s0, $0x6;
	s5 =	sadd.s32 $0xC400, s6;
	s6 =	sadd.s32 $0x16800, s8  }
0xd: {  	v0 =	vimm.f32 $1.000000000e+00;
	s8 =	sor.u32 @!p0 $0x1C01, s9;
	s9 =	sshrl.u32 @!p0 s11, $0x3;
	s11 =	simm.s32 $0x1  }
.LBB2_1:
0xe: {  	[spmem:s9], [sflag:s8] =	dma.local @!p0 [hbm:s4], $0x7D  }
0xf: {  	s15 =	simm.s32 @!p0 $0x1  }
0x10: {  	_ =	swait.ge @!p0 [sflag:s15], $0x7D  }
0x11: {  	[sflag:s15] =	ssyncset.done @!p0 $0x0  }
0x12: {  	[sflag:s15] =	ssyncadd.s32 @!p0 $0xFFFFFF83  }
0x13: {  	[tilespmem:$0x2988] =	vst v0  }
0x14: {  	[tilespmem:$0x2998] =	vst v0  }
0x15: {  	[tilespmem:$0x29A8] =	vst v0  }
0x16: {  	[tilespmem:$0x29B8] =	vst v0  }
0x17: {  	[tilespmem:$0x29C8] =	vst v0  }
0x18: {  	[tilespmem:s10], [sflag:$0x1] =	stream.linear.gather [hbm4b:s5+s3], $0x2710, $0x38;
	[tilespmem:$0x29D8] =	vst v63  }
0x19: {  	_ =	swait.ge [sflag:s11], $0x2710  }
0x1a: {  	[sflag:s11] =	ssyncset.done $0x0  }
0x1b: {  	[sflag:s11] =	ssyncadd.s32 $0xFFFFD8F0  }
0x1c: {  	s31 =	simm.s32 $0x278;
	[bflag:$0x0] =	sbarrier.arrive $0xFFFF  }
0x1d: {  	[spmem:s2] =	stream.indirect.scatter.add.f32 [tilespmem:s13], [sflag:$0x1], $0x1, s31, s12, $0xb8;
	[tilespmem:$0x29D8] =	vst v63  }
0x1e: {  	s15 =	simm.s32 $0x140;
	_ =	swait.ge [sflag:s11], $0x50  }
.LBB2_2:
0x1f: {  	s16 =	sshra.s32 s15, $0x2;
	[sflag:s11] =	ssyncset.done $0x0;
	p1 =	sne.s32 s15, $0x9B00  }
.Ltmp0:
0x20: {  	s16 =	sadd.s32 $0x278, s16;
	[sflag:s11] =	ssyncadd.s32 $0xFFFFFFB0;
	(pc) =	sbr.rel @p1 .LBB2_2-.Ltmp0, $3  }
0x21: {  	[spmem:s2] =	stream.indirect.scatter.add.f32 [tilespmem:s13], [sflag:$0x1], $0x1, s16, s12, $0xb8;
	[tilespmem:$0x29D8] =	vst v63  }
0x22: {  	s15 =	sadd.s32 $0x140, s15;
	_ =	sdelay $0x1  }
0x23: {  	_ =	swait.ge [sflag:s11], $0x50  }
0x24: {  	[sflag:s11] =	ssyncset.done $0x0;
	s14 =	sadd.s32 $0x1, s14  }
0x25: {  	[sflag:s11] =	ssyncadd.s32 $0xFFFFFFB0;
	p1 =	sne.s32 s14, s7  }
.Ltmp1:
0x26: {  	s15 =	simm.s32 @!p0 $0x1;
	[bflag:$0x0] =	sbarrier.arrive $0xFFFF;
	(pc) =	sbr.rel @p1 .LBB2_1-.Ltmp1, $4  }
0x27: {  	[hbm:s6], [sflag:s8] =	dma.local @!p0 [spmem:s9], $0x7D  }
0x28: {  	_ =	swait.ge @!p0 [sflag:s15], $0x7D  }
0x29: {  	[sflag:s15] =	ssyncset.done @!p0 $0x0  }
0x2a: {  	[sflag:s15] =	ssyncadd.s32 @!p0 $0xFFFFFF83  }
0x2b: {  	_ =	sfence.sel $0x180000  }
0x2c: {  	[bflag:$0x0] =	sbarrier.arrive $0xFFFF  }
0x2d: {  	p0 =	sne.s32 s0, $0x0;
	_ =	strace $0x90000047  }
0x2e: {  	s0 =	sadd.s32 @!p0 $0x100000, s1;
	[bflag:$0x2] =	sbarrier.arrive $0xFFFF  }
0x2f: {  	[sflag:s0] =	ssyncadd.tile.s32 @!p0 $0x1;
	_ =	shalt  }
.Lfunc_end2:
_tile_overlayer_lowered:
.L_overlay_start_2:
0x30: {  	(tag) =	ssettag $0x2  }
0x31: {  	s0 =	rddreg [dreg:$0x0];
	s2 =	stileid.u32  }
0x32: {  	s1 =	rddreg [dreg:$0x1];
	p0 =	sne.s32 s2, $0x0  }
0x33: {  	s3 =	rddreg [dreg:$0x2];
	[bflag:$0x3] =	sbarrier.arrive $0xFFFF;
	s2 =	simm.s32 @!p0 $0x1C01  }
0x34: {  	[timem:s3], [sflag:s2] =	dma.local @!p0 [hbm:s0], s1  }
0x35: {  	s0 =	simm.s32 @!p0 $0x1  }
0x36: {  	_ =	swait.ge @!p0 [sflag:s0], s1  }
0x37: {  	s1 =	ssub.s32 @!p0 $0x0, s1;
	[sflag:s0] =	ssyncset.done @!p0 $0x0  }
0x38: {  	[sflag:s0] =	ssyncadd.s32 @!p0 s1  }
0x39: {  	[bflag:$0x3] =	sbarrier.arrive $0xFFFF  }
0x3a: {  	_ =	shalt  }

// kernel: kernel.9.cloned.1.call-start
scs
__scs_entry_jumppad:
0x0: {  	(pc) =	sbr.rel $0x88, $3  }
0x1: {  	(tag) =	ssettag $0x0;
	lr =	simm.s32 $0x1  }
0x2: {  	[smem:$0x3F96] =	sst lr;
	_ =	strace $0xD0000000  }
0x3: {  	_ = 	snop  }
0x4: {  	_ = 	snop  }
0x5: {  	_ = 	snop  }
0x6: {  	_ = 	snop  }
0x7: {  	_ = 	snop  }
__scs_overlays_trampoline_lowered:
0x8: {  	[smem:$0x3FA5] =	sst s0  }
0x9: {  	[smem:$0x3FA6] =	sst s1  }
0xa: {  	[smem:$0x3FA7] =	sst s2  }
0xb: {  	[smem:$0x3FA8] =	sst s3  }
0xc: {  	[smem:$0x3FA9] =	sst s4  }
0xd: {  	[smem:$0x3FAA] =	sst s5  }
0xe: {  	[smem:$0x3FAB] =	sst s6  }
0xf: {  	[smem:$0x3FAC] =	sst s7  }
0x10: {  	[smem:$0x3FAD] =	sst s8  }
0x11: {  	[smem:$0x3FAE] =	sst s9;
	s0 =	simm.s32 @!p0 $0x0  }
0x12: {  	s1 =	sld [smem:$0x3F94];
	s0 =	simm.s32 @p0 $0x1  }
0x13: {  	[smem:$0x3FAF] =	sst s0;
	s0 =	simm.s32 @!p1 $0x0  }
0x14: {  	s2 =	sld [smem:$0x3F93];
	s0 =	simm.s32 @p1 $0x1  }
0x15: {  	[smem:$0x3FB0] =	sst s0;
	s0 =	simm.s32 @!p2 $0x0  }
0x16: {  	s3 =	sld [smem:$0x3FDB];
	s0 =	simm.s32 @p2 $0x1  }
0x17: {  	s4 =	simm.s32 $0x1BF5;
	[smem:$0x3FB2] =	sst s0  }
0x18: {  	s0 =	sld [smem:$0x3F95];
	_ =	swait.ge [sflag:s4], $0x0  }
0x19: {  	s7 =	sld [smem:$0x3F96]  }
0x1a: {  	s8 =	sadd.s32 $0xFFFFE003, lr  }
0x1b: {  	s9 =	sadd.s32 $0xFFFFFEF7, lr;
	s5 =	simm.s32 $0xFFFFFFFF;
	p2 =	slt.u32 s8, $0xFFFFF086  }
0x1c: {  	p1 =	slt.u32 s9, $0xF7A;
	s5 =	simm.s32 @!p2 $0x0  }
0x1d: {  	s5 =	simm.s32 @p1 $0x1;
	p0 =	seq.s32 s7, s2  }
0x1e: {  	s7 =	smul.u32 @!p0 $0xF7A, s2;
	p2 =	seq.s32 @!p0 s5, $0x0  }
0x1f: {  	s9 =	smul.u32 $0xF7A, s1;
	s8 =	simm.s32 @!p0 $0x1BF5;
	p2 =	por !p2, p0  }
0x20: {  	[sflag:s8] =	ssyncset.s32 @!p0 $0xFFFFF086;
	s6 =	sadd.s32 @!p0 s3, s7;
	s7 =	simm.s32 @!p0 $0x108  }
0x21: {  	s3 =	sadd.s32 s3, s9;
	s6 =	sadd.s32 @!p0 $0x88, s6;
	s7 =	simm.s32 @p2 $0x1082  }
0x22: {  	[simem:s7], [sflag:s8] =	dma.local @!p0 [hbm:s6], $0xF7A  }
0x23: {  	s9 =	sor.u32 $0xD0000000, s2;
	s6 =	simm.s32 $0x108;
	_ =	swait.ge @!p0 [sflag:s8], $0x0  }
0x24: {  	s3 =	sadd.s32 $0x88, s3;
	s6 =	simm.s32 @!p1 $0x1082;
	[sflag:s4] =	ssyncset.s32 $0xFFFFF086  }
0x25: {  	[simem:s6], [sflag:s4] =	dma.local [hbm:s3], $0xF7A  }
0x26: {  	[smem:$0x3F96] =	sst s1;
	(tag) =	ssettag s2;
	_ =	strace s9  }
0x27: {  	s1 =	sld [smem:$0x3FA6]  }
0x28: {  	s2 =	sld [smem:$0x3FA7]  }
0x29: {  	s4 =	sld [smem:$0x3FA9]  }
0x2a: {  	p0 =	seq.s32 s5, $0x0;
	s5 =	sld [smem:$0x3FAA]  }
0x2b: {  	s6 =	sld [smem:$0x3FAB]  }
0x2c: {  	s7 =	sld [smem:$0x3FAC]  }
0x2d: {  	s3 =	simm.s32 $0x108;
	s8 =	sld [smem:$0x3FAD]  }
0x2e: {  	s3 =	simm.s32 @!p0 $0x1082;
	s9 =	sld [smem:$0x3FAE]  }
0x2f: {  	lr =	sadd.s32 s0, s3;
	s0 =	sld [smem:$0x3FA5]  }
0x30: {  	s3 =	sld [smem:$0x3FA8]  }
0x31: {  	[smem:$0x3FB1] =	sst s10  }
0x32: {  	s10 =	sld [smem:$0x3FAF];
	_ =	sdelay $0x3  }
0x33: {  	p0 =	seq.s32 s10, $0x1;
	s10 =	sld [smem:$0x3FB1];
	_ =	sdelay $0x3  }
0x34: {  	[smem:$0x3FB1] =	sst s10  }
0x35: {  	s10 =	sld [smem:$0x3FB0];
	_ =	sdelay $0x3  }
0x36: {  	p1 =	seq.s32 s10, $0x1;
	s10 =	sld [smem:$0x3FB1];
	_ =	sdelay $0x3  }
0x37: {  	[smem:$0x3FB1] =	sst s10  }
0x38: {  	s10 =	sld [smem:$0x3FB2]  }
0x39: {  	_ = 	snop;
	(pc) =	sbr.ind lr, $3  }
0x3a: {  	_ = 	snop  }
0x3b: {  	_ = 	snop  }
0x3c: {  	p2 =	seq.s32 s10, $0x1;
	s10 =	sld [smem:$0x3FB1]  }
0x3d: {  	_ =	shalt  }
0x3e: {  	_ =	shalt  }
0x3f: {  	_ =	shalt  }
0x40: {  	_ =	shalt  }
0x41: {  	_ =	shalt  }
0x42: {  	_ =	shalt  }
0x43: {  	_ =	shalt  }
0x44: {  	_ =	shalt  }
0x45: {  	_ =	shalt  }
0x46: {  	_ =	shalt  }
0x47: {  	_ =	shalt  }
0x48: {  	_ =	shalt  }
0x49: {  	_ =	shalt  }
0x4a: {  	_ =	shalt  }
0x4b: {  	_ =	shalt  }
0x4c: {  	_ =	shalt  }
0x4d: {  	_ =	shalt  }
0x4e: {  	_ =	shalt  }
0x4f: {  	_ =	shalt  }
0x50: {  	_ =	shalt  }
0x51: {  	_ =	shalt  }
0x52: {  	_ =	shalt  }
0x53: {  	_ =	shalt  }
0x54: {  	_ =	shalt  }
0x55: {  	_ =	shalt  }
0x56: {  	_ =	shalt  }
0x57: {  	_ =	shalt  }
0x58: {  	_ =	shalt  }
0x59: {  	_ =	shalt  }
0x5a: {  	_ =	shalt  }
0x5b: {  	_ =	shalt  }
0x5c: {  	_ =	shalt  }
0x5d: {  	_ =	shalt  }
0x5e: {  	_ =	shalt  }
0x5f: {  	_ =	shalt  }
0x60: {  	_ =	shalt  }
0x61: {  	_ =	shalt  }
0x62: {  	_ =	shalt  }
0x63: {  	_ =	shalt  }
0x64: {  	_ =	shalt  }
0x65: {  	_ =	shalt  }
0x66: {  	_ =	shalt  }
0x67: {  	_ =	shalt  }
0x68: {  	_ =	shalt  }
0x69: {  	_ =	shalt  }
0x6a: {  	_ =	shalt  }
0x6b: {  	_ =	shalt  }
0x6c: {  	_ =	shalt  }
0x6d: {  	_ =	shalt  }
0x6e: {  	_ =	shalt  }
0x6f: {  	_ =	shalt  }
0x70: {  	_ =	shalt  }
0x71: {  	_ =	shalt  }
0x72: {  	_ =	shalt  }
0x73: {  	_ =	shalt  }
0x74: {  	_ =	shalt  }
0x75: {  	_ =	shalt  }
0x76: {  	_ =	shalt  }
0x77: {  	_ =	shalt  }
0x78: {  	_ =	shalt  }
0x79: {  	_ =	shalt  }
0x7a: {  	_ =	shalt  }
0x7b: {  	_ =	shalt  }
0x7c: {  	_ =	shalt  }
0x7d: {  	_ =	shalt  }
0x7e: {  	_ =	shalt  }
0x7f: {  	_ =	shalt  }
0x80: {  	_ =	shalt  }
0x81: {  	_ =	shalt  }
0x82: {  	_ =	shalt  }
0x83: {  	_ =	shalt  }
0x84: {  	_ =	shalt  }
0x85: {  	_ =	shalt  }
0x86: {  	_ =	shalt  }
0x87: {  	_ =	shalt  }
.Lfunc_end0:
.L_simem_size_0:
called_computation.1_lowered:
.L_overlay_start_0:
0x88: {  	s2 =	sld [smem:$0x3FD9]  }
0x89: {  	s3 =	sld [smem:$0x3FFE];
	_ =	sdelay $0x1  }
0x8a: {  	s1 =	srdreg.scid  }
0x8b: {  	s0 =	sand.u32 $0x1, s1  }
0x8c: {  	s16 =	sshll.u32 s0, $0xA;
	s2 =	sadd.s32 s3, s2  }
0x8d: {  	s2 =	sadd.s32 s2, s16  }
0x8e: {  	[smem:$0x3FBD] =	sst s2  }
0x8f: {  	_ = 	snop  }
0x90: {  	(tm) =	ssettm $0x1  }
0x91: {  	s17 =	sld [smem:$0x3FFB];
	_ =	sdelay $0x3  }
0x92: {  	_ =	strace s17  }
0x93: {  	s2 =	sld [smem:$0x3FFC];
	_ =	sdelay $0x3  }
0x94: {  	_ =	strace s2  }
0x95: {  	s2 =	sld [smem:$0x3FFD];
	_ =	sdelay $0x3  }
0x96: {  	_ =	strace s2  }
0x97: {  	_ =	strace $0x8FFFFFFF  }
0x98: {  	s18 =	sld [smem:$0x3FDB];
	_ =	sdelay $0x1  }
0x99: {  	s19 =	simm.s32 $_scs_section_size  }
0x9a: {  	s4 =	simm.s32 $_size__tile_overlayer_lowered;
	s5 =	simm.s32 $_tile_overlayer_lowered  }
0x9b: {  	s22 =	simm.s32 $0x1BFF;
	s21 =	sshll.u32 s5, $0x1;
	s2 =	sadd.s32 s19, s18  }
0x9c: {  	s6 =	simm.s32 $0x0;
	s20 =	sshll.u32 s4, $0x1;
	s4 =	sadd.s32 s21, s2  }
0x9d: {  	[timem:s6], [sflag:s22] =	dma.local [hbm:s4], s20  }
0x9e: {  	_ =	swait.ge [sflag:s22], s20  }
0x9f: {  	s3 =	ssub.s32 $0x0, s20;
	[sflag:s22] =	ssyncset.done $0x0  }
0xa0: {  	[sflag:s22] =	ssyncadd.s32 s3;
	_ =	sdelay $0x1  }
0xa1: {  	s23 =	simm.s32 $0x1B8B  }
0xa2: {  	_ =	swait.ge [sflag:s23], $0x1  }
0xa3: {  	[sflag:s23] =	ssyncset.done $0x0  }
0xa4: {  	s25 =	simm.s32 $0x1B8E;
	s24 =	sld [smem:$0x3FFE];
	[sflag:s23] =	ssyncadd.s32 $0xFFFFFFFF  }
0xa5: {  	s26 =	simm.s32 $execute0_lowered;
	[smem:$0x3FD2] =	sst s25  }
0xa6: {  	s4 =	sshll.u32 s26, $0x1;
	_ =	strace $0x80000049;
	[dreg:$0x1] =	wrdreg $0xFFFFFFFF  }
0xa7: {  	s28 =	simm.s32 $_size_execute0_lowered;
	s2 =	sadd.s32 s2, s4;
	[dreg:$0x0] =	wrdreg $0x0  }
0xa8: {  	s4 =	sshll.u32 s28, $0x1;
	[dreg:$0x2] =	wrdreg s2  }
0xa9: {  	[dreg:$0x3] =	wrdreg s4  }
0xaa: {  	[dreg:$0x4] =	wrdreg $0xC0  }
0xab: {  	_ =	task [dreg:s6], $0x5FFFF  }
0xac: {  	[dreg:$0x1] =	wrdreg $0xFFFFFFFF  }
0xad: {  	[dreg:$0x0] =	wrdreg $0x60  }
0xae: {  	[dreg:$0x2] =	wrdreg s24  }
0xaf: {  	[dreg:$0x3] =	wrdreg $0x0  }
0xb0: {  	[dreg:$0x4] =	wrdreg $0x9  }
0xb1: {  	_ =	task.clear_ibuf [dreg:s6], $0x5FFFF;
	_ =	strace $0x90000049  }
0xb2: {  	s29 =	simm.s32 $0x9;
	_ =	strace $0x8000004B  }
0xb3: {  	_ =	swait.ge [sflag:s29], $0x1  }
0xb4: {  	[sflag:s29] =	ssyncadd.s32 $0xFFFFFFFF  }
0xb5: {  	_ =	strace $0x9000004B  }
0xb6: {  	_ =	sfence  }
0xb7: {  	s30 =	sld [smem:$0x0];
	_ =	sdelay $0x2  }
0xb8: {  	s31 =	sshll.u32 s1, $0xD;
	s1 =	sshrl.u32 s1, $0x2  }
0xb9: {  	s3 =	sand.u32 $0x4000, s31;
	s1 =	sadd.s32 s1, s30  }
0xba: {  	s0 =	sor.u32 s3, s0;
	s1 =	sshll.u32 s1, $0x11  }
0xbb: {  	s0 =	sor.u32 s1, s0  }
0xbc: {  	s0 =	sadd.s32 $0x8F2B, s0  }
0xbd: {  	[sflag:s0] =	ssyncadd.remote.s32 $0x1  }
0xbe: {  	_ =	sfence.sel $0xFFFF  }
0xbf: {  	[dreg:$0x0] =	wrdreg $0xFFFFFFFF;
	(pc) =	sbr.abs _section_cstart, $3  }
0xc0: {  	[dreg:$0x1] =	wrdreg $0xFFFFFFFF  }
0xc1: {  	_ =	task.clear_ibuf [dreg:s6], $0x2FFFF;
	_ =	strace $0x9FFFFFFF  }
0xc2: {  	(tm) =	ssettm $0x7FFFFFFF  }
0xc3: {  	_ =	shalt  }
tec
execute0_lowered:
.L_overlay_start_1:
0x0: {  	(tag) =	ssettag $0x1  }
0x1: {  	s6 =	rddreg [dreg:$0x0]  }
0x2: {  	s0 =	srdreg.scid;
	s2 =	rddreg [dreg:$0x1]  }
0x3: {  	s3 =	simm.s32 $0x0;
	s13 =	simm.s32 $0x2;
	s14 =	simm.s32 $0x15F90  }
0x4: {  	s15 =	simm.s32 $0x50;
	s5 =	sand.u32 $0x1, s0;
	s0 =	stileid.u32  }
0x5: {  	s16 =	simm.s32 $0x186A0;
	s17 =	simm.s32 $0x1;
	s8 =	smul.u32 $0x1F400, s0  }
0x6: {  	s19 =	simm.s32 $0x0;
	[smem:$0x7FF] =	sst s3;
	s9 =	smul.u32 $0x27100, s5  }
0x7: {  	s4 =	sadd.s32 $0x16200, s6;
	s1 =	sshll.u32 s5, $0x4;
	s10 =	smul.u32 $0x3E80, s0  }
0x8: {  	s5 =	ssub.s32 $0x2, s5;
	s30 =	smul.u32 $0x7D000, s0;
	s1 =	sor.u32 s0, s1  }
0x9: {  	p0 =	sgt.u32 s0, $0x9;
	s29 =	sshrl.u32 s5, $0x1;
	s7 =	smul.u32 $0x4E2, s1  }
0xa: {  	s1 =	rddreg [dreg:$0x2];
	_ =	strace $0x8000004A;
	s11 =	sshrl.u32 s8, $0x3  }
0xb: {  	s9 =	sadd.s32 s10, s9;
	s10 =	ssub.s32 s5, s29;
	s12 =	sadd.s32 s8, s2  }
0xc: {  	s31 =	sshrl.u32 s30, $0x2;
	s11 =	sadd.s32 s11, s6;
	s9 =	sadd.s32 s9, s6  }
0xd: {  	s18 =	sadd.s32 s31, s2;
	s7 =	sadd.s32 s7, s6;
	s5 =	sadd.s32 $0x3D400, s11  }
0xe: {  	s8 =	sadd.s32 $0x64600, s9;
	s11 =	sshll.u32 @!p0 s0, $0x6;
	s9 =	smax.u32 s10, $0x1  }
0xf: {  	s18 =	sshrl.u32 @!p0 s18, $0x3;
	s6 =	sadd.s32 $0x2600, s7;
	s7 =	sadd.s32 $0xC400, s7  }
0x10: {  	s10 =	sor.u32 @!p0 $0x1C02, s11;
	s11 =	sshrl.u32 @!p0 s12, $0x3;
	s12 =	simm.s32 $0x13880  }
.LBB2_1:
0x11: {  	[spmem:s11], [sflag:s10] =	dma.local @!p0 [hbm:s5], $0x3E80  }
0x12: {  	s20 =	simm.s32 @!p0 $0x2  }
0x13: {  	_ =	swait.ge @!p0 [sflag:s20], $0x3E80  }
0x14: {  	[sflag:s20] =	ssyncset.done @!p0 $0x0  }
0x15: {  	[sflag:s20] =	ssyncadd.s32 @!p0 $0xFFFFC180  }
0x16: {  	[tilespmem:s12], [sflag:$0x2] =	stream.linear.gather [hbm4b:s6+s3], $0x2710, $0x38;
	[tilespmem:$0x1AEA0] =	vst v63  }
0x17: {  	_ =	swait.ge [sflag:s13], $0x2710  }
0x18: {  	[sflag:s13] =	ssyncset.done $0x0  }
0x19: {  	[sflag:s13] =	ssyncadd.s32 $0xFFFFD8F0  }
0x1a: {  	[tilespmem:s14], [sflag:$0x2] =	stream.linear.gather [hbm4b:s7+s3], $0x2710, $0x38;
	[tilespmem:$0x1AEA0] =	vst v63  }
0x1b: {  	_ =	swait.ge [sflag:s13], $0x2710  }
0x1c: {  	[sflag:s13] =	ssyncset.done $0x0  }
0x1d: {  	[sflag:s13] =	ssyncadd.s32 $0xFFFFD8F0  }
0x1e: {  	s30 =	simm.s32 $0x13880;
	[bflag:$0x0] =	sbarrier.arrive $0xFFFF  }
0x1f: {  	[tilespmem:s16], [sflag:$0x1] =	stream.indirect.gather [hbm4b:s4+s15], $0x80, s30, s15, $0xb8;
	[tilespmem:$0x1AEA0] =	vst v63  }
0x20: {  	_ =	swait.ge [sflag:s17], $0x2800  }
0x21: {  	[sflag:s17] =	ssyncset.done $0x0  }
0x22: {  	s31 =	simm.s32 $0x15F90;
	[sflag:s17] =	ssyncadd.s32 $0xFFFFD800  }
0x23: {  	[spmem:s2] =	stream.indirect.scatter.add.f32 [tilespmem:s16], [sflag:$0x2], $0x80, s31, s15, $0xb8;
	[tilespmem:$0x1AEA0] =	vst v63  }
0x24: {  	_ =	swait.ge [sflag:s13], $0x2800  }
0x25: {  	s21 =	simm.s32 $0x280;
	s20 =	simm.s32 $0x50;
	[sflag:s13] =	ssyncset.done $0x0  }
.LBB2_2:
0x26: {  	s22 =	sadd.s32 $0x13880, s20  }
0x27: {  	[sflag:s13] =	ssyncadd.s32 $0xFFFFD800;
	s23 =	smov.u32 s21;
	s24 =	sadd.s32 $0x140, s21  }
0x28: {  	[tilespmem:s16], [sflag:$0x1] =	stream.indirect.gather [hbm4b:s4+s15], $0x80, s22, s15, $0xb8;
	[tilespmem:$0x1AEA0] =	vst v63  }
0x29: {  	p1 =	sne.s32 s21, $0x9B00;
	_ =	swait.ge [sflag:s17], $0x2800  }
.Ltmp0:
0x2a: {  	[sflag:s17] =	ssyncset.done $0x0;
	(pc) =	sbr.rel @p1 .LBB2_2-.Ltmp0, $4  }
0x2b: {  	s20 =	sadd.s32 $0x15F90, s20;
	[sflag:s17] =	ssyncadd.s32 $0xFFFFD800  }
0x2c: {  	[spmem:s2] =	stream.indirect.scatter.add.f32 [tilespmem:s16], [sflag:$0x2], $0x80, s20, s15, $0xb8;
	[tilespmem:$0x1AEA0] =	vst v63  }
0x2d: {  	_ =	swait.ge [sflag:s13], $0x2800  }
0x2e: {  	s21 =	smov.u32 s24;
	s20 =	sshra.s32 s23, $0x2;
	[sflag:s13] =	ssyncset.done $0x0  }
0x2f: {  	s21 =	sadd.s32 $0x13880, s20;
	[sflag:s13] =	ssyncadd.s32 $0xFFFFD800  }
0x30: {  	[tilespmem:s16], [sflag:$0x1] =	stream.indirect.gather [hbm4b:s4+s15], $0x80, s21, s15, $0xb8;
	[tilespmem:$0x1AEA0] =	vst v63  }
0x31: {  	_ =	swait.ge [sflag:s17], $0x2800  }
0x32: {  	[sflag:s17] =	ssyncset.done $0x0  }
0x33: {  	s31 =	sadd.s32 $0x15F90, s20;
	[sflag:s17] =	ssyncadd.s32 $0xFFFFD800  }
0x34: {  	[spmem:s2] =	stream.indirect.scatter.add.f32 [tilespmem:s16], [sflag:$0x2], $0x80, s31, s15, $0xb8;
	[tilespmem:$0x1AEA0] =	vst v63  }
0x35: {  	_ =	swait.ge [sflag:s13], $0x2800  }
0x36: {  	s19 =	sadd.s32 $0x1, s19;
	[sflag:s13] =	ssyncset.done $0x0  }
0x37: {  	p1 =	sne.s32 s19, s9;
	[sflag:s13] =	ssyncadd.s32 $0xFFFFD800  }
.Ltmp1:
0x38: {  	s20 =	simm.s32 @!p0 $0x2;
	[bflag:$0x0] =	sbarrier.arrive $0xFFFF;
	(pc) =	sbr.rel @p1 .LBB2_1-.Ltmp1, $4  }
0x39: {  	[hbm:s8], [sflag:s10] =	dma.local @!p0 [spmem:s18], $0x3E80  }
0x3a: {  	_ =	swait.ge @!p0 [sflag:s20], $0x3E80  }
0x3b: {  	[sflag:s20] =	ssyncset.done @!p0 $0x0  }
0x3c: {  	[sflag:s20] =	ssyncadd.s32 @!p0 $0xFFFFC180  }
0x3d: {  	_ =	sfence.sel $0x180000  }
0x3e: {  	[bflag:$0x0] =	sbarrier.arrive $0xFFFF  }
0x3f: {  	p0 =	sne.s32 s0, $0x0;
	_ =	strace $0x9000004A  }
0x40: {  	s0 =	sadd.s32 @!p0 $0x100000, s1;
	[bflag:$0x2] =	sbarrier.arrive $0xFFFF  }
0x41: {  	[sflag:s0] =	ssyncadd.tile.s32 @!p0 $0x1;
	_ =	shalt  }
.Lfunc_end2:
_tile_overlayer_lowered:
.L_overlay_start_2:
0x42: {  	(tag) =	ssettag $0x2  }
0x43: {  	s0 =	rddreg [dreg:$0x0];
	s2 =	stileid.u32  }
0x44: {  	s1 =	rddreg [dreg:$0x1];
	p0 =	sne.s32 s2, $0x0  }
0x45: {  	s3 =	rddreg [dreg:$0x2];
	[bflag:$0x3] =	sbarrier.arrive $0xFFFF;
	s2 =	simm.s32 @!p0 $0x1C02  }
0x46: {  	[timem:s3], [sflag:s2] =	dma.local @!p0 [hbm:s0], s1  }
0x47: {  	s0 =	simm.s32 @!p0 $0x2  }
0x48: {  	_ =	swait.ge @!p0 [sflag:s0], s1  }
0x49: {  	s1 =	ssub.s32 @!p0 $0x0, s1;
	[sflag:s0] =	ssyncset.done @!p0 $0x0  }
0x4a: {  	[sflag:s0] =	ssyncadd.s32 @!p0 s1  }
0x4b: {  	[bflag:$0x3] =	sbarrier.arrive $0xFFFF  }
0x4c: {  	_ =	shalt  }

</sc_bundles>
